<compile_context>
chip_gen: v7x
topology: tpu7x:2x2x1
jax: 0.10.2.dev20260603
libtpu: 0.0.44.dev20260713+nightly
codegen_flags: <defaults>
</compile_context>

<pallas_src>
import dataclasses
import functools

import jax
import jax.numpy as jnp
from jax import lax
from jax.experimental import pallas as pl
from jax.experimental.pallas import tpu as pltpu
from jax.experimental.pallas import tpu_sc as plsc

N_C = 10000
N_J = 10000
E = 320000
L = 100000
D_IN = 384
H = 128

NPAD = 10112
RPS = NPAD // 16
ECHUNK = 128
NCH_E = 157
NCH_C = 160
E_PAD = NCH_E * ECHUNK * 16
LCH_W = 25
L_PAD = LCH_W * ECHUNK * 32
NB = 10
BR = N_C // NB

_HIGH = jax.lax.Precision.HIGHEST


def _dot(a, b):
    return jnp.dot(a, b, preferred_element_type=jnp.float32, precision=_HIGH)



def _enc_body(x_ref, w_ref, b_ref, e_ref, o_ref):
    o_ref[...] = _dot(x_ref[...], w_ref[...]) + b_ref[...] + e_ref[...]


def _encode(x, w, b, emb):
    return pl.pallas_call(
        _enc_body,
        grid=(NB,),
        in_specs=[
            pl.BlockSpec((BR, D_IN), lambda i: (i, 0)),
            pl.BlockSpec((D_IN, H), lambda i: (0, 0)),
            pl.BlockSpec((1, H), lambda i: (0, 0)),
            pl.BlockSpec((BR, H), lambda i: (i, 0)),
        ],
        out_specs=pl.BlockSpec((BR, H), lambda i: (i, 0)),
        out_shape=jax.ShapeDtypeStruct((N_C, H), jnp.float32),
    )(x, w, b.reshape(1, H), emb)


def _layer_body(s_ref, c_ref, x_ref, wl_ref, wr_ref, b_ref, o_ref, *, relu):
    cnt = c_ref[0][:, 0:1]
    m = s_ref[0] * (1.0 / jnp.maximum(cnt, 1.0))
    r = _dot(m, wl_ref[0]) + _dot(x_ref[...], wr_ref[0]) + b_ref[0]
    if relu:
        r = jnp.maximum(r, 0.0)
    o_ref[...] = r


def _layer(sums, cnts, xcj, wl, wr, b, relu):
    return pl.pallas_call(
        functools.partial(_layer_body, relu=relu),
        grid=(2, NB),
        in_specs=[
            pl.BlockSpec((1, BR, H), lambda t, i: (t, i, 0)),
            pl.BlockSpec((1, BR, H), lambda t, i: (t, i, 0)),
            pl.BlockSpec((BR, H), lambda t, i: (t * NB + i, 0)),
            pl.BlockSpec((1, H, H), lambda t, i: (t, 0, 0)),
            pl.BlockSpec((1, H, H), lambda t, i: (t, 0, 0)),
            pl.BlockSpec((1, 1, H), lambda t, i: (t, 0, 0)),
        ],
        out_specs=pl.BlockSpec((BR, H), lambda t, i: (t * NB + i, 0)),
        out_shape=jax.ShapeDtypeStruct((2 * N_C, H), jnp.float32),
    )(sums, cnts, xcj, wl, wr, b.reshape(2, 1, H))



_MESH = plsc.VectorSubcoreMesh(core_axis_name="c", subcore_axis_name="s")

_CP = pltpu.CompilerParams()
if "needs_layout_passes" in pltpu.CompilerParams.__dataclass_fields__:
    _CP = dataclasses.replace(_CP, needs_layout_passes=False)


@functools.partial(
    pl.kernel,
    out_type=jax.ShapeDtypeStruct((2, NPAD, H), jnp.float32),
    mesh=_MESH,
    scratch_types=[
        pltpu.VMEM((2, ECHUNK), jnp.int32),
        pltpu.VMEM((ECHUNK, H), jnp.float32),
        pltpu.VMEM_SHARED((NPAD, H), jnp.float32),
    ],
)
def _sc_agg(xcj_hbm, sd_hbm, zeros_hbm, sums_hbm, sdv, rows, acc):
    cid = lax.axis_index("c")
    sid = lax.axis_index("s")
    r0 = sid * RPS
    pltpu.sync_copy(zeros_hbm.at[pl.ds(r0, RPS)], acc.at[pl.ds(r0, RPS)])
    plsc.subcore_barrier()

    base = (cid * 16 + sid) * NCH_E

    @pl.loop(0, NCH_E)
    def _edge_chunk(i):
        pltpu.sync_copy(sd_hbm.at[base + i], sdv)
        pltpu.sync_copy(xcj_hbm.at[sdv.at[0]], rows)
        pltpu.sync_copy(rows, acc.at[sdv.at[1]], add=True)

    plsc.subcore_barrier()
    pltpu.sync_copy(acc.at[pl.ds(r0, RPS)], sums_hbm.at[cid, pl.ds(r0, RPS)])


@functools.partial(
    pl.kernel,
    out_type=jax.ShapeDtypeStruct((2, NPAD, H), jnp.float32),
    mesh=_MESH,
    scratch_types=[
        pltpu.VMEM((NCH_C, ECHUNK), jnp.int32),
        pltpu.VMEM((ECHUNK, H), jnp.float32),
        pltpu.VMEM_SHARED((NPAD, H), jnp.float32),
    ],
)
def _sc_counts(dst_hbm, zeros_hbm, ones_hbm, cnts_hbm, dstv, onesv, acc):
    cid = lax.axis_index("c")
    sid = lax.axis_index("s")
    r0 = sid * RPS
    pltpu.sync_copy(zeros_hbm.at[pl.ds(r0, RPS)], acc.at[pl.ds(r0, RPS)])
    rowbase = (cid * 16 + sid) * NCH_C
    pltpu.sync_copy(dst_hbm.at[pl.ds(rowbase, NCH_C)], dstv)
    pltpu.sync_copy(ones_hbm, onesv)
    plsc.subcore_barrier()

    @pl.loop(0, NCH_C)
    def _edge_chunk(i):
        pltpu.sync_copy(onesv, acc.at[dstv.at[i]], add=True)

    plsc.subcore_barrier()
    pltpu.sync_copy(acc.at[pl.ds(r0, RPS)], cnts_hbm.at[cid, pl.ds(r0, RPS)])


@functools.partial(
    pl.kernel,
    out_type=jax.ShapeDtypeStruct((L_PAD,), jnp.float32),
    mesh=_MESH,
    scratch_types=[
        pltpu.VMEM((1, ECHUNK), jnp.int32),
        pltpu.VMEM((1, ECHUNK), jnp.int32),
        pltpu.VMEM((ECHUNK, H), jnp.float32),
        pltpu.VMEM((ECHUNK, H), jnp.float32),
        pltpu.VMEM((1, ECHUNK), jnp.float32),
        pltpu.VMEM((16, 16), jnp.float32),
    ],
    compiler_params=_CP,
)
def _sc_classify(xcj_hbm, ia_hbm, ib_hbm, out_hbm, iav, ibv, ra, rb, outv,
                 pbuf):
    cid = lax.axis_index("c")
    sid = lax.axis_index("s")
    base = (cid * 16 + sid) * LCH_W

    @pl.loop(0, LCH_W)
    def _label_chunk(c):
        goff = (base + c) * ECHUNK
        pltpu.sync_copy(ia_hbm.at[pl.ds(goff, ECHUNK)], iav.at[0])
        pltpu.sync_copy(ib_hbm.at[pl.ds(goff, ECHUNK)], ibv.at[0])
        pltpu.sync_copy(xcj_hbm.at[iav.at[0]], ra)
        pltpu.sync_copy(xcj_hbm.at[ibv.at[0]], rb)

        @pl.loop(0, ECHUNK // 16)
        def _group(grp):
            @pl.loop(0, 16)
            def _edge(j):
                e = grp * 16 + j
                p = ra[e, pl.ds(0, 16)] * rb[e, pl.ds(0, 16)]
                for k in range(1, H // 16):
                    p = p + ra[e, pl.ds(k * 16, 16)] * rb[e, pl.ds(k * 16, 16)]
                pbuf[j, :] = p

            rid = lax.iota(jnp.int32, 16)
            acc = jnp.zeros((16,), jnp.float32)
            for c in range(16):
                acc = acc + plsc.load_gather(
                    pbuf, [rid, jnp.full((16,), c, jnp.int32)])
            outv[0, pl.ds(grp * 16, 16)] = acc

        pltpu.sync_copy(outv.at[0], out_hbm.at[pl.ds(goff, ECHUNK)])



def kernel(x_user, x_item, node_id_user, node_id_item, edge_index,
           edge_label_index, W_user_lin, b_user_lin, W_job_lin, b_job_lin,
           user_emb, job_emb,
           Wl0_c2j, Wr0_c2j, b0_c2j, Wl0_j2c, Wr0_j2c, b0_j2c,
           Wl1_c2j, Wr1_c2j, b1_c2j, Wl1_j2c, Wr1_j2c, b1_j2c,
           Wl2_c2j, Wr2_c2j, b2_c2j, Wl2_j2c, Wr2_j2c, b2_j2c):
    i32 = jnp.int32
    ei0 = edge_index[0]
    ei1 = edge_index[1]
    epad = E_PAD - E
    padz = jnp.remainder(jnp.arange(epad, dtype=i32), 2048)
    padg = N_C + jnp.remainder(jnp.arange(epad, dtype=i32), NPAD - N_C)
    src_flat = jnp.concatenate([ei1 + N_C, padz, ei0, padz])
    dst_flat = jnp.concatenate([ei0, padg, ei1, padg])
    sd3 = jnp.stack([src_flat.reshape(-1, ECHUNK),
                     dst_flat.reshape(-1, ECHUNK)], axis=1)
    epad_c = NCH_C * ECHUNK * 16 - E
    padg_c = N_C + jnp.remainder(jnp.arange(epad_c, dtype=i32), NPAD - N_C)
    dst2d = jnp.concatenate([ei0, padg_c, ei1, padg_c]).reshape(-1, ECHUNK)

    lpad = L_PAD - L
    lpz = jnp.zeros((lpad,), i32)
    ia = jnp.concatenate([edge_label_index[0], lpz])
    ib = jnp.concatenate([edge_label_index[1] + N_C, lpz])

    zeros = jnp.zeros((NPAD, H), jnp.float32)
    ones = jnp.ones((ECHUNK, H), jnp.float32)

    x_c = _encode(x_user, W_user_lin, b_user_lin, user_emb)
    x_j = _encode(x_item, W_job_lin, b_job_lin, job_emb)
    xcj = jnp.concatenate([x_c, x_j], axis=0)

    wl = (jnp.stack([Wl0_j2c, Wl0_c2j]), jnp.stack([Wl1_j2c, Wl1_c2j]),
          jnp.stack([Wl2_j2c, Wl2_c2j]))
    wr = (jnp.stack([Wr0_j2c, Wr0_c2j]), jnp.stack([Wr1_j2c, Wr1_c2j]),
          jnp.stack([Wr2_j2c, Wr2_c2j]))
    bb = (jnp.stack([b0_j2c, b0_c2j]), jnp.stack([b1_j2c, b1_c2j]),
          jnp.stack([b2_j2c, b2_c2j]))

    cnts = _sc_counts(dst2d, zeros, ones)
    for l in range(3):
        sums = _sc_agg(xcj, sd3, zeros)
        xcj = _layer(sums, cnts, xcj, wl[l], wr[l], bb[l], relu=(l == 0))

    pred = _sc_classify(xcj, ia, ib)
    return pred[:L]

# --- scband reference (transcript-rebuilt; emitter-appended) ---
"""Pipeline reference for scband-model-17205638988433 (READ-ONLY COPY).

The authoritative reference and input builder live on the scoring server;
editing this copy changes nothing except your own understanding.
"""

import jax, jax.numpy as jnp
import numpy as np

N_C = 10000
N_J = 10000
E = 320000
L = 100000
D_IN = 384
H = 128


def setup_inputs(seed: int = 0) -> dict:
    key = jax.random.key(seed)
    ks = jax.random.split(key, 40)
    inp = {}
    inp['x_user'] = jax.random.normal(ks[0], (N_C, D_IN), jnp.float32)
    inp['x_item'] = jax.random.normal(ks[1], (N_J, D_IN), jnp.float32)
    inp['node_id_user'] = jnp.arange(N_C, dtype=jnp.int32)
    inp['node_id_item'] = jnp.arange(N_J, dtype=jnp.int32)
    inp['edge_index'] = jnp.stack([
        jax.random.randint(ks[2], (E,), 0, N_C, dtype=jnp.int32),
        jax.random.randint(ks[3], (E,), 0, N_J, dtype=jnp.int32)])
    inp['edge_label_index'] = jnp.stack([
        jax.random.randint(ks[4], (L,), 0, N_C, dtype=jnp.int32),
        jax.random.randint(ks[5], (L,), 0, N_J, dtype=jnp.int32)])
    # learned parameters
    inp['W_user_lin'] = jax.random.normal(ks[6], (D_IN, H), jnp.float32) * 0.05
    inp['b_user_lin'] = jnp.zeros((H,), jnp.float32)
    inp['W_job_lin'] = jax.random.normal(ks[7], (D_IN, H), jnp.float32) * 0.05
    inp['b_job_lin'] = jnp.zeros((H,), jnp.float32)
    inp['user_emb'] = jax.random.normal(ks[8], (N_C, H), jnp.float32) * 0.05
    inp['job_emb'] = jax.random.normal(ks[9], (N_J, H), jnp.float32) * 0.05
    i = 10
    for l in range(3):
        for rel in ('c2j', 'j2c'):
            inp[f'Wl{l}_{rel}'] = jax.random.normal(ks[i], (H, H), jnp.float32) * 0.05; i += 1
            inp[f'Wr{l}_{rel}'] = jax.random.normal(ks[i], (H, H), jnp.float32) * 0.05; i += 1
            inp[f'b{l}_{rel}'] = jnp.zeros((H,), jnp.float32)
    return inp


def _mean_agg(src_feat, src_idx, dst_idx, num_dst):
    msg = src_feat[src_idx]
    s = jax.ops.segment_sum(msg, dst_idx, num_segments=num_dst)
    cnt = jax.ops.segment_sum(jnp.ones((dst_idx.shape[0],), src_feat.dtype), dst_idx, num_segments=num_dst)
    return s / jnp.maximum(cnt, 1.0)[:, None]


def reference(x_user, x_item, node_id_user, node_id_item, edge_index,
              edge_label_index, W_user_lin, b_user_lin, W_job_lin, b_job_lin,
              user_emb, job_emb,
              Wl0_c2j, Wr0_c2j, b0_c2j, Wl0_j2c, Wr0_j2c, b0_j2c,
              Wl1_c2j, Wr1_c2j, b1_c2j, Wl1_j2c, Wr1_j2c, b1_j2c,
              Wl2_c2j, Wr2_c2j, b2_c2j, Wl2_j2c, Wr2_j2c, b2_j2c):
    inp = {
        'x_user': x_user, 'x_item': x_item,
        'node_id_user': node_id_user, 'node_id_item': node_id_item,
        'edge_index': edge_index, 'edge_label_index': edge_label_index,
        'W_user_lin': W_user_lin, 'b_user_lin': b_user_lin,
        'W_job_lin': W_job_lin, 'b_job_lin': b_job_lin,
        'user_emb': user_emb, 'job_emb': job_emb,
        'Wl0_c2j': Wl0_c2j, 'Wr0_c2j': Wr0_c2j, 'b0_c2j': b0_c2j,
        'Wl0_j2c': Wl0_j2c, 'Wr0_j2c': Wr0_j2c, 'b0_j2c': b0_j2c,
        'Wl1_c2j': Wl1_c2j, 'Wr1_c2j': Wr1_c2j, 'b1_c2j': b1_c2j,
        'Wl1_j2c': Wl1_j2c, 'Wr1_j2c': Wr1_j2c, 'b1_j2c': b1_j2c,
        'Wl2_c2j': Wl2_c2j, 'Wr2_c2j': Wr2_c2j, 'b2_c2j': b2_c2j,
        'Wl2_j2c': Wl2_j2c, 'Wr2_j2c': Wr2_j2c, 'b2_j2c': b2_j2c,
    }
    ei = inp['edge_index']
    eli = inp['edge_label_index']
    # input encoders: Linear(384,H)(x) + Embedding(node_id)
    x_c = inp['x_user'] @ inp['W_user_lin'] + inp['b_user_lin'] + inp['user_emb'][inp['node_id_user']]
    x_j = inp['x_item'] @ inp['W_job_lin'] + inp['b_job_lin'] + inp['job_emb'][inp['node_id_item']]
    # 3 hetero SAGEConv layers: candidate->job and job->candidate (rev edge)
    for l in range(3):
        m_j = _mean_agg(x_c, ei[0], ei[1], N_J)
        m_c = _mean_agg(x_j, ei[1], ei[0], N_C)
        new_j = m_j @ inp[f'Wl{l}_c2j'] + inp[f'b{l}_c2j'] + x_j @ inp[f'Wr{l}_c2j']
        new_c = m_c @ inp[f'Wl{l}_j2c'] + inp[f'b{l}_j2c'] + x_c @ inp[f'Wr{l}_j2c']
        if l == 0:
            new_j = jax.nn.relu(new_j)
            new_c = jax.nn.relu(new_c)
        x_c, x_j = new_c, new_j
    # Classifier: dot product on labeled edges
    pred = (x_c[eli[0]] * x_j[eli[1]]).sum(axis=-1)
    return pred

if __name__ == "__main__":
    import jax
    _d = setup_inputs()
    print(jax.jit(kernel)(*tuple(_d.values())))

</pallas_src>

<mosaic_0001>
#map = affine_map<(d0, d1) -> (0, 0)>
#map1 = affine_map<(d0, d1) -> (0, 0, 0)>
module attributes {stable_mosaic.version = 14 : i64} {
  func.func @_sc_agg(%arg0: i32, %arg1: i32, %arg2: memref<20000x128xf32, #tpu.memory_space<hbm>>, %arg3: memref<5024x2x128xi32, #tpu.memory_space<hbm>>, %arg4: memref<10112x128xf32, #tpu.memory_space<hbm>>, %arg5: memref<2x10112x128xf32, #tpu.memory_space<hbm>>, %arg6: memref<2x128xi32, #tpu.memory_space<vmem>>, %arg7: memref<128x128xf32, #tpu.memory_space<vmem>>, %arg8: memref<10112x128xf32, #tpu.memory_space<vmem_shared>>) attributes {dimension_semantics = [#tpu.dimension_semantics<core_parallel>, #tpu.dimension_semantics<subcore_parallel>], iteration_bounds = array<i64: 2, 16>, scalar_prefetch = 0 : i64, scratch_operands = 3 : i64, tpu.core_type = #tpu.core_type<sc_vector_subcore>, window_params = [{transform_indices = #map}, {transform_indices = #map1}, {transform_indices = #map}, {transform_indices = #map1}]} {
    %mul3A = arith.constant 632 : i32
    %mul3A_0 = arith.muli %arg1, %mul3A : i32
    "tpu.region"() ({
      %run_scoped3A = tpu.sem_alloc : memref<!tpu.dma_semaphore, #tpu.memory_space<semaphore_mem>>
      %dma_start3A = arith.constant 0 : i32
      %dma_start3A_10 = tpu.memref_slice %arg8[%mul3A_0, %dma_start3A] : memref<10112x128xf32, #tpu.memory_space<vmem_shared>> -> memref<632x128xf32, #tpu.memory_space<vmem_shared>>
      %dma_start3A_11 = arith.constant 0 : i32
      %dma_start3A_12 = tpu.memref_slice %arg4[%mul3A_0, %dma_start3A_11] : memref<10112x128xf32, #tpu.memory_space<hbm>> -> memref<632x128xf32, #tpu.memory_space<hbm>>
      tpu.enqueue_dma source(%dma_start3A_12 : memref<632x128xf32, #tpu.memory_space<hbm>>) target(%dma_start3A_10 : memref<632x128xf32, #tpu.memory_space<vmem_shared>>) target_semaphore(%run_scoped3A : memref<!tpu.dma_semaphore, #tpu.memory_space<semaphore_mem>>)
      %dma_wait3A = arith.constant 0 : i32
      %dma_wait3A_13 = tpu.memref_slice %arg8[%mul3A_0, %dma_wait3A] : memref<10112x128xf32, #tpu.memory_space<vmem_shared>> -> memref<632x128xf32, #tpu.memory_space<vmem_shared>>
      %dma_wait3A_14 = arith.constant 0 : i32
      %dma_wait3A_15 = tpu.memref_slice %arg4[%mul3A_0, %dma_wait3A_14] : memref<10112x128xf32, #tpu.memory_space<hbm>> -> memref<632x128xf32, #tpu.memory_space<hbm>>
      tpu.wait_dma2 semaphore(%run_scoped3A : memref<!tpu.dma_semaphore, #tpu.memory_space<semaphore_mem>>) src(%dma_wait3A_15 : memref<632x128xf32, #tpu.memory_space<hbm>>) dst(%dma_wait3A_13 : memref<632x128xf32, #tpu.memory_space<vmem_shared>>)
      tpu.yield
    }) : () -> ()
    %barrier3A = arith.constant 0 : index
    tpu.barrier barrier_id(%barrier3A)
    %mul3A_1 = arith.constant 16 : i32
    %mul3A_2 = arith.muli %arg0, %mul3A_1 : i32
    %add3A = arith.addi %mul3A_2, %arg1 : i32
    %mul3A_3 = arith.constant 157 : i32
    %mul3A_4 = arith.muli %add3A, %mul3A_3 : i32
    %scan3A = arith.constant 0 : i32
    %scan3A_5 = arith.constant 157 : i32
    %scan3A_6 = arith.addi %scan3A, %scan3A_5 : i32
    %scan3A_7 = arith.constant 1 : i32
    scf.for %scan3A_10 = %scan3A to %scan3A_6 step %scan3A_7  : i32 {
      %mul3A_11 = arith.constant 1 : i32
      %mul3A_12 = arith.muli %scan3A_10, %mul3A_11 : i32
      %add3A_13 = arith.constant 0 : i32
      %add3A_14 = arith.addi %add3A_13, %mul3A_12 : i32
      %add3A_15 = arith.addi %mul3A_4, %add3A_14 : i32
      "tpu.region"() ({
        %run_scoped3A_17 = tpu.sem_alloc : memref<!tpu.dma_semaphore, #tpu.memory_space<semaphore_mem>>
        %dma_start3A = arith.constant 0 : i32
        %dma_start3A_18 = arith.constant 0 : i32
        %dma_start3A_19 = tpu.memref_slice %arg3[%add3A_15, %dma_start3A, %dma_start3A_18] : memref<5024x2x128xi32, #tpu.memory_space<hbm>> -> memref<1x2x128xi32, #tpu.memory_space<hbm>>
        %dma_start3A_20 = tpu.memref_squeeze %dma_start3A_19 : memref<1x2x128xi32, #tpu.memory_space<hbm>> -> memref<2x128xi32, #tpu.memory_space<hbm>>
        %dma_start3A_21 = arith.constant 0 : i32
        %dma_start3A_22 = arith.constant 0 : i32
        %dma_start3A_23 = tpu.memref_slice %arg3[%add3A_15, %dma_start3A_21, %dma_start3A_22] : memref<5024x2x128xi32, #tpu.memory_space<hbm>> -> memref<1x2x128xi32, #tpu.memory_space<hbm>>
        %dma_start3A_24 = tpu.memref_squeeze %dma_start3A_23 : memref<1x2x128xi32, #tpu.memory_space<hbm>> -> memref<2x128xi32, #tpu.memory_space<hbm>>
        tpu.enqueue_dma source(%dma_start3A_24 : memref<2x128xi32, #tpu.memory_space<hbm>>) target(%arg6 : memref<2x128xi32, #tpu.memory_space<vmem>>) target_semaphore(%run_scoped3A_17 : memref<!tpu.dma_semaphore, #tpu.memory_space<semaphore_mem>>)
        %dma_wait3A = arith.constant 0 : i32
        %dma_wait3A_25 = arith.constant 0 : i32
        %dma_wait3A_26 = tpu.memref_slice %arg3[%add3A_15, %dma_wait3A, %dma_wait3A_25] : memref<5024x2x128xi32, #tpu.memory_space<hbm>> -> memref<1x2x128xi32, #tpu.memory_space<hbm>>
        %dma_wait3A_27 = tpu.memref_squeeze %dma_wait3A_26 : memref<1x2x128xi32, #tpu.memory_space<hbm>> -> memref<2x128xi32, #tpu.memory_space<hbm>>
        %dma_wait3A_28 = arith.constant 0 : i32
        %dma_wait3A_29 = arith.constant 0 : i32
        %dma_wait3A_30 = tpu.memref_slice %arg3[%add3A_15, %dma_wait3A_28, %dma_wait3A_29] : memref<5024x2x128xi32, #tpu.memory_space<hbm>> -> memref<1x2x128xi32, #tpu.memory_space<hbm>>
        %dma_wait3A_31 = tpu.memref_squeeze %dma_wait3A_30 : memref<1x2x128xi32, #tpu.memory_space<hbm>> -> memref<2x128xi32, #tpu.memory_space<hbm>>
        tpu.wait_dma2 semaphore(%run_scoped3A_17 : memref<!tpu.dma_semaphore, #tpu.memory_space<semaphore_mem>>) src(%dma_wait3A_31 : memref<2x128xi32, #tpu.memory_space<hbm>>) dst(%arg6 : memref<2x128xi32, #tpu.memory_space<vmem>>)
        tpu.yield
      }) : () -> ()
      %run_scoped3A = arith.constant 0 : i32
      "tpu.region"() ({
        %run_scoped3A_17 = tpu.sem_alloc : memref<!tpu.dma_semaphore, #tpu.memory_space<semaphore_mem>>
        %dma_start3A = arith.constant 0 : i32
        %dma_start3A_18 = tpu.memref_slice %arg6[%run_scoped3A, %dma_start3A] : memref<2x128xi32, #tpu.memory_space<vmem>> -> memref<1x128xi32, #tpu.memory_space<vmem>>
        %dma_start3A_19 = tpu.memref_squeeze %dma_start3A_18 : memref<1x128xi32, #tpu.memory_space<vmem>> -> memref<128xi32, #tpu.memory_space<vmem>>
        %dma_start3A_20 = arith.constant 0 : i32
        %dma_start3A_21 = arith.constant 0 : i32
        %dma_start3A_22 = tpu.memref_slice %arg2[%dma_start3A_20, %dma_start3A_21] : memref<20000x128xf32, #tpu.memory_space<hbm>> -> memref<20000x128xf32, #tpu.memory_space<hbm>>
        tpu.enqueue_indirect_dma source(%dma_start3A_22 : memref<20000x128xf32, #tpu.memory_space<hbm>>) target(%arg7 : memref<128x128xf32, #tpu.memory_space<vmem>>) offsets(%dma_start3A_19 : memref<128xi32, #tpu.memory_space<vmem>>) semaphore(%run_scoped3A_17 : memref<!tpu.dma_semaphore, #tpu.memory_space<semaphore_mem>>)
        %dma_wait3A = arith.constant 0 : i32
        %dma_wait3A_23 = tpu.memref_slice %arg6[%run_scoped3A, %dma_wait3A] : memref<2x128xi32, #tpu.memory_space<vmem>> -> memref<1x128xi32, #tpu.memory_space<vmem>>
        %dma_wait3A_24 = tpu.memref_squeeze %dma_wait3A_23 : memref<1x128xi32, #tpu.memory_space<vmem>> -> memref<128xi32, #tpu.memory_space<vmem>>
        %dma_wait3A_25 = arith.constant 0 : i32
        %dma_wait3A_26 = arith.constant 0 : i32
        %dma_wait3A_27 = tpu.memref_slice %arg2[%dma_wait3A_25, %dma_wait3A_26] : memref<20000x128xf32, #tpu.memory_space<hbm>> -> memref<20000x128xf32, #tpu.memory_space<hbm>>
        tpu.wait_indirect_dma semaphore(%run_scoped3A_17 : memref<!tpu.dma_semaphore, #tpu.memory_space<semaphore_mem>>) src(%dma_wait3A_27 : memref<20000x128xf32, #tpu.memory_space<hbm>>) dst(%arg7 : memref<128x128xf32, #tpu.memory_space<vmem>>)
        tpu.yield
      }) : () -> ()
      %run_scoped3A_16 = arith.constant 1 : i32
      "tpu.region"() ({
        %run_scoped3A_17 = tpu.sem_alloc : memref<!tpu.dma_semaphore, #tpu.memory_space<semaphore_mem>>
        %dma_start3A = arith.constant 0 : i32
        %dma_start3A_18 = tpu.memref_slice %arg6[%run_scoped3A_16, %dma_start3A] : memref<2x128xi32, #tpu.memory_space<vmem>> -> memref<1x128xi32, #tpu.memory_space<vmem>>
        %dma_start3A_19 = tpu.memref_squeeze %dma_start3A_18 : memref<1x128xi32, #tpu.memory_space<vmem>> -> memref<128xi32, #tpu.memory_space<vmem>>
        %dma_start3A_20 = arith.constant 0 : i32
        %dma_start3A_21 = arith.constant 0 : i32
        %dma_start3A_22 = tpu.memref_slice %arg8[%dma_start3A_20, %dma_start3A_21] : memref<10112x128xf32, #tpu.memory_space<vmem_shared>> -> memref<10112x128xf32, #tpu.memory_space<vmem_shared>>
        tpu.enqueue_indirect_dma source(%arg7 : memref<128x128xf32, #tpu.memory_space<vmem>>) target(%dma_start3A_22 : memref<10112x128xf32, #tpu.memory_space<vmem_shared>>) offsets(%dma_start3A_19 : memref<128xi32, #tpu.memory_space<vmem>>) semaphore(%run_scoped3A_17 : memref<!tpu.dma_semaphore, #tpu.memory_space<semaphore_mem>>) {add = true}
        %dma_wait3A = arith.constant 0 : i32
        %dma_wait3A_23 = tpu.memref_slice %arg6[%run_scoped3A_16, %dma_wait3A] : memref<2x128xi32, #tpu.memory_space<vmem>> -> memref<1x128xi32, #tpu.memory_space<vmem>>
        %dma_wait3A_24 = tpu.memref_squeeze %dma_wait3A_23 : memref<1x128xi32, #tpu.memory_space<vmem>> -> memref<128xi32, #tpu.memory_space<vmem>>
        %dma_wait3A_25 = arith.constant 0 : i32
        %dma_wait3A_26 = arith.constant 0 : i32
        %dma_wait3A_27 = tpu.memref_slice %arg8[%dma_wait3A_25, %dma_wait3A_26] : memref<10112x128xf32, #tpu.memory_space<vmem_shared>> -> memref<10112x128xf32, #tpu.memory_space<vmem_shared>>
        tpu.wait_indirect_dma semaphore(%run_scoped3A_17 : memref<!tpu.dma_semaphore, #tpu.memory_space<semaphore_mem>>) src(%arg7 : memref<128x128xf32, #tpu.memory_space<vmem>>) dst(%dma_wait3A_27 : memref<10112x128xf32, #tpu.memory_space<vmem_shared>>)
        tpu.yield
      }) : () -> ()
    }
    %scan3A_8 = arith.constant 157 : i32
    %barrier3A_9 = arith.constant 0 : index
    tpu.barrier barrier_id(%barrier3A_9)
    "tpu.region"() ({
      %run_scoped3A = tpu.sem_alloc : memref<!tpu.dma_semaphore, #tpu.memory_space<semaphore_mem>>
      %dma_start3A = arith.constant 0 : i32
      %dma_start3A_10 = tpu.memref_slice %arg5[%arg0, %mul3A_0, %dma_start3A] : memref<2x10112x128xf32, #tpu.memory_space<hbm>> -> memref<1x632x128xf32, #tpu.memory_space<hbm>>
      %dma_start3A_11 = tpu.memref_squeeze %dma_start3A_10 : memref<1x632x128xf32, #tpu.memory_space<hbm>> -> memref<632x128xf32, #tpu.memory_space<hbm>>
      %dma_start3A_12 = arith.constant 0 : i32
      %dma_start3A_13 = tpu.memref_slice %arg8[%mul3A_0, %dma_start3A_12] : memref<10112x128xf32, #tpu.memory_space<vmem_shared>> -> memref<632x128xf32, #tpu.memory_space<vmem_shared>>
      tpu.enqueue_dma source(%dma_start3A_13 : memref<632x128xf32, #tpu.memory_space<vmem_shared>>) target(%dma_start3A_11 : memref<632x128xf32, #tpu.memory_space<hbm>>) target_semaphore(%run_scoped3A : memref<!tpu.dma_semaphore, #tpu.memory_space<semaphore_mem>>)
      %dma_wait3A = arith.constant 0 : i32
      %dma_wait3A_14 = tpu.memref_slice %arg5[%arg0, %mul3A_0, %dma_wait3A] : memref<2x10112x128xf32, #tpu.memory_space<hbm>> -> memref<1x632x128xf32, #tpu.memory_space<hbm>>
      %dma_wait3A_15 = tpu.memref_squeeze %dma_wait3A_14 : memref<1x632x128xf32, #tpu.memory_space<hbm>> -> memref<632x128xf32, #tpu.memory_space<hbm>>
      %dma_wait3A_16 = arith.constant 0 : i32
      %dma_wait3A_17 = tpu.memref_slice %arg8[%mul3A_0, %dma_wait3A_16] : memref<10112x128xf32, #tpu.memory_space<vmem_shared>> -> memref<632x128xf32, #tpu.memory_space<vmem_shared>>
      tpu.wait_dma2 semaphore(%run_scoped3A : memref<!tpu.dma_semaphore, #tpu.memory_space<semaphore_mem>>) src(%dma_wait3A_17 : memref<632x128xf32, #tpu.memory_space<vmem_shared>>) dst(%dma_wait3A_15 : memref<632x128xf32, #tpu.memory_space<hbm>>)
      tpu.yield
    }) : () -> ()
    return
  }
}

#map = affine_map<(d0, d1) -> (0, 0)>
#map1 = affine_map<(d0, d1) -> (0, 0, 0)>
module attributes {stable_mosaic.version = 14 : i64} {
  func.func @_sc_agg(%arg0: i32, %arg1: i32, %arg2: memref<20000x128xf32, #tpu.memory_space<hbm>>, %arg3: memref<5024x2x128xi32, #tpu.memory_space<hbm>>, %arg4: memref<10112x128xf32, #tpu.memory_space<hbm>>, %arg5: memref<2x10112x128xf32, #tpu.memory_space<hbm>>, %arg6: memref<2x128xi32, #tpu.memory_space<vmem>>, %arg7: memref<128x128xf32, #tpu.memory_space<vmem>>, %arg8: memref<10112x128xf32, #tpu.memory_space<vmem_shared>>) attributes {dimension_semantics = [#tpu.dimension_semantics<core_parallel>, #tpu.dimension_semantics<subcore_parallel>], iteration_bounds = array<i64: 2, 16>, scalar_prefetch = 0 : i64, scratch_operands = 3 : i64, tpu.core_type = #tpu.core_type<sc_vector_subcore>, window_params = [{transform_indices = #map}, {transform_indices = #map1}, {transform_indices = #map}, {transform_indices = #map1}]} {
    %mul3A = arith.constant 632 : i32
    %mul3A_0 = arith.muli %arg1, %mul3A : i32
    "tpu.region"() ({
      %run_scoped3A = tpu.sem_alloc : memref<!tpu.dma_semaphore, #tpu.memory_space<semaphore_mem>>
      %dma_start3A = arith.constant 0 : i32
      %dma_start3A_10 = tpu.memref_slice %arg8[%mul3A_0, %dma_start3A] : memref<10112x128xf32, #tpu.memory_space<vmem_shared>> -> memref<632x128xf32, #tpu.memory_space<vmem_shared>>
      %dma_start3A_11 = arith.constant 0 : i32
      %dma_start3A_12 = tpu.memref_slice %arg4[%mul3A_0, %dma_start3A_11] : memref<10112x128xf32, #tpu.memory_space<hbm>> -> memref<632x128xf32, #tpu.memory_space<hbm>>
      tpu.enqueue_dma source(%dma_start3A_12 : memref<632x128xf32, #tpu.memory_space<hbm>>) target(%dma_start3A_10 : memref<632x128xf32, #tpu.memory_space<vmem_shared>>) target_semaphore(%run_scoped3A : memref<!tpu.dma_semaphore, #tpu.memory_space<semaphore_mem>>)
      %dma_wait3A = arith.constant 0 : i32
      %dma_wait3A_13 = tpu.memref_slice %arg8[%mul3A_0, %dma_wait3A] : memref<10112x128xf32, #tpu.memory_space<vmem_shared>> -> memref<632x128xf32, #tpu.memory_space<vmem_shared>>
      %dma_wait3A_14 = arith.constant 0 : i32
      %dma_wait3A_15 = tpu.memref_slice %arg4[%mul3A_0, %dma_wait3A_14] : memref<10112x128xf32, #tpu.memory_space<hbm>> -> memref<632x128xf32, #tpu.memory_space<hbm>>
      tpu.wait_dma2 semaphore(%run_scoped3A : memref<!tpu.dma_semaphore, #tpu.memory_space<semaphore_mem>>) src(%dma_wait3A_15 : memref<632x128xf32, #tpu.memory_space<hbm>>) dst(%dma_wait3A_13 : memref<632x128xf32, #tpu.memory_space<vmem_shared>>)
      tpu.yield
    }) : () -> ()
    %barrier3A = arith.constant 0 : index
    tpu.barrier barrier_id(%barrier3A)
    %mul3A_1 = arith.constant 16 : i32
    %mul3A_2 = arith.muli %arg0, %mul3A_1 : i32
    %add3A = arith.addi %mul3A_2, %arg1 : i32
    %mul3A_3 = arith.constant 157 : i32
    %mul3A_4 = arith.muli %add3A, %mul3A_3 : i32
    %scan3A = arith.constant 0 : i32
    %scan3A_5 = arith.constant 157 : i32
    %scan3A_6 = arith.addi %scan3A, %scan3A_5 : i32
    %scan3A_7 = arith.constant 1 : i32
    scf.for %scan3A_10 = %scan3A to %scan3A_6 step %scan3A_7  : i32 {
      %mul3A_11 = arith.constant 1 : i32
      %mul3A_12 = arith.muli %scan3A_10, %mul3A_11 : i32
      %add3A_13 = arith.constant 0 : i32
      %add3A_14 = arith.addi %add3A_13, %mul3A_12 : i32
      %add3A_15 = arith.addi %mul3A_4, %add3A_14 : i32
      "tpu.region"() ({
        %run_scoped3A_17 = tpu.sem_alloc : memref<!tpu.dma_semaphore, #tpu.memory_space<semaphore_mem>>
        %dma_start3A = arith.constant 0 : i32
        %dma_start3A_18 = arith.constant 0 : i32
        %dma_start3A_19 = tpu.memref_slice %arg3[%add3A_15, %dma_start3A, %dma_start3A_18] : memref<5024x2x128xi32, #tpu.memory_space<hbm>> -> memref<1x2x128xi32, #tpu.memory_space<hbm>>
        %dma_start3A_20 = tpu.memref_squeeze %dma_start3A_19 : memref<1x2x128xi32, #tpu.memory_space<hbm>> -> memref<2x128xi32, #tpu.memory_space<hbm>>
        %dma_start3A_21 = arith.constant 0 : i32
        %dma_start3A_22 = arith.constant 0 : i32
        %dma_start3A_23 = tpu.memref_slice %arg3[%add3A_15, %dma_start3A_21, %dma_start3A_22] : memref<5024x2x128xi32, #tpu.memory_space<hbm>> -> memref<1x2x128xi32, #tpu.memory_space<hbm>>
        %dma_start3A_24 = tpu.memref_squeeze %dma_start3A_23 : memref<1x2x128xi32, #tpu.memory_space<hbm>> -> memref<2x128xi32, #tpu.memory_space<hbm>>
        tpu.enqueue_dma source(%dma_start3A_24 : memref<2x128xi32, #tpu.memory_space<hbm>>) target(%arg6 : memref<2x128xi32, #tpu.memory_space<vmem>>) target_semaphore(%run_scoped3A_17 : memref<!tpu.dma_semaphore, #tpu.memory_space<semaphore_mem>>)
        %dma_wait3A = arith.constant 0 : i32
        %dma_wait3A_25 = arith.constant 0 : i32
        %dma_wait3A_26 = tpu.memref_slice %arg3[%add3A_15, %dma_wait3A, %dma_wait3A_25] : memref<5024x2x128xi32, #tpu.memory_space<hbm>> -> memref<1x2x128xi32, #tpu.memory_space<hbm>>
        %dma_wait3A_27 = tpu.memref_squeeze %dma_wait3A_26 : memref<1x2x128xi32, #tpu.memory_space<hbm>> -> memref<2x128xi32, #tpu.memory_space<hbm>>
        %dma_wait3A_28 = arith.constant 0 : i32
        %dma_wait3A_29 = arith.constant 0 : i32
        %dma_wait3A_30 = tpu.memref_slice %arg3[%add3A_15, %dma_wait3A_28, %dma_wait3A_29] : memref<5024x2x128xi32, #tpu.memory_space<hbm>> -> memref<1x2x128xi32, #tpu.memory_space<hbm>>
        %dma_wait3A_31 = tpu.memref_squeeze %dma_wait3A_30 : memref<1x2x128xi32, #tpu.memory_space<hbm>> -> memref<2x128xi32, #tpu.memory_space<hbm>>
        tpu.wait_dma2 semaphore(%run_scoped3A_17 : memref<!tpu.dma_semaphore, #tpu.memory_space<semaphore_mem>>) src(%dma_wait3A_31 : memref<2x128xi32, #tpu.memory_space<hbm>>) dst(%arg6 : memref<2x128xi32, #tpu.memory_space<vmem>>)
        tpu.yield
      }) : () -> ()
      %run_scoped3A = arith.constant 0 : i32
      "tpu.region"() ({
        %run_scoped3A_17 = tpu.sem_alloc : memref<!tpu.dma_semaphore, #tpu.memory_space<semaphore_mem>>
        %dma_start3A = arith.constant 0 : i32
        %dma_start3A_18 = tpu.memref_slice %arg6[%run_scoped3A, %dma_start3A] : memref<2x128xi32, #tpu.memory_space<vmem>> -> memref<1x128xi32, #tpu.memory_space<vmem>>
        %dma_start3A_19 = tpu.memref_squeeze %dma_start3A_18 : memref<1x128xi32, #tpu.memory_space<vmem>> -> memref<128xi32, #tpu.memory_space<vmem>>
        %dma_start3A_20 = arith.constant 0 : i32
        %dma_start3A_21 = arith.constant 0 : i32
        %dma_start3A_22 = tpu.memref_slice %arg2[%dma_start3A_20, %dma_start3A_21] : memref<20000x128xf32, #tpu.memory_space<hbm>> -> memref<20000x128xf32, #tpu.memory_space<hbm>>
        tpu.enqueue_indirect_dma source(%dma_start3A_22 : memref<20000x128xf32, #tpu.memory_space<hbm>>) target(%arg7 : memref<128x128xf32, #tpu.memory_space<vmem>>) offsets(%dma_start3A_19 : memref<128xi32, #tpu.memory_space<vmem>>) semaphore(%run_scoped3A_17 : memref<!tpu.dma_semaphore, #tpu.memory_space<semaphore_mem>>)
        %dma_wait3A = arith.constant 0 : i32
        %dma_wait3A_23 = tpu.memref_slice %arg6[%run_scoped3A, %dma_wait3A] : memref<2x128xi32, #tpu.memory_space<vmem>> -> memref<1x128xi32, #tpu.memory_space<vmem>>
        %dma_wait3A_24 = tpu.memref_squeeze %dma_wait3A_23 : memref<1x128xi32, #tpu.memory_space<vmem>> -> memref<128xi32, #tpu.memory_space<vmem>>
        %dma_wait3A_25 = arith.constant 0 : i32
        %dma_wait3A_26 = arith.constant 0 : i32
        %dma_wait3A_27 = tpu.memref_slice %arg2[%dma_wait3A_25, %dma_wait3A_26] : memref<20000x128xf32, #tpu.memory_space<hbm>> -> memref<20000x128xf32, #tpu.memory_space<hbm>>
        tpu.wait_indirect_dma semaphore(%run_scoped3A_17 : memref<!tpu.dma_semaphore, #tpu.memory_space<semaphore_mem>>) src(%dma_wait3A_27 : memref<20000x128xf32, #tpu.memory_space<hbm>>) dst(%arg7 : memref<128x128xf32, #tpu.memory_space<vmem>>)
        tpu.yield
      }) : () -> ()
      %run_scoped3A_16 = arith.constant 1 : i32
      "tpu.region"() ({
        %run_scoped3A_17 = tpu.sem_alloc : memref<!tpu.dma_semaphore, #tpu.memory_space<semaphore_mem>>
        %dma_start3A = arith.constant 0 : i32
        %dma_start3A_18 = tpu.memref_slice %arg6[%run_scoped3A_16, %dma_start3A] : memref<2x128xi32, #tpu.memory_space<vmem>> -> memref<1x128xi32, #tpu.memory_space<vmem>>
        %dma_start3A_19 = tpu.memref_squeeze %dma_start3A_18 : memref<1x128xi32, #tpu.memory_space<vmem>> -> memref<128xi32, #tpu.memory_space<vmem>>
        %dma_start3A_20 = arith.constant 0 : i32
        %dma_start3A_21 = arith.constant 0 : i32
        %dma_start3A_22 = tpu.memref_slice %arg8[%dma_start3A_20, %dma_start3A_21] : memref<10112x128xf32, #tpu.memory_space<vmem_shared>> -> memref<10112x128xf32, #tpu.memory_space<vmem_shared>>
        tpu.enqueue_indirect_dma source(%arg7 : memref<128x128xf32, #tpu.memory_space<vmem>>) target(%dma_start3A_22 : memref<10112x128xf32, #tpu.memory_space<vmem_shared>>) offsets(%dma_start3A_19 : memref<128xi32, #tpu.memory_space<vmem>>) semaphore(%run_scoped3A_17 : memref<!tpu.dma_semaphore, #tpu.memory_space<semaphore_mem>>) {add = true}
        %dma_wait3A = arith.constant 0 : i32
        %dma_wait3A_23 = tpu.memref_slice %arg6[%run_scoped3A_16, %dma_wait3A] : memref<2x128xi32, #tpu.memory_space<vmem>> -> memref<1x128xi32, #tpu.memory_space<vmem>>
        %dma_wait3A_24 = tpu.memref_squeeze %dma_wait3A_23 : memref<1x128xi32, #tpu.memory_space<vmem>> -> memref<128xi32, #tpu.memory_space<vmem>>
        %dma_wait3A_25 = arith.constant 0 : i32
        %dma_wait3A_26 = arith.constant 0 : i32
        %dma_wait3A_27 = tpu.memref_slice %arg8[%dma_wait3A_25, %dma_wait3A_26] : memref<10112x128xf32, #tpu.memory_space<vmem_shared>> -> memref<10112x128xf32, #tpu.memory_space<vmem_shared>>
        tpu.wait_indirect_dma semaphore(%run_scoped3A_17 : memref<!tpu.dma_semaphore, #tpu.memory_space<semaphore_mem>>) src(%arg7 : memref<128x128xf32, #tpu.memory_space<vmem>>) dst(%dma_wait3A_27 : memref<10112x128xf32, #tpu.memory_space<vmem_shared>>)
        tpu.yield
      }) : () -> ()
    }
    %scan3A_8 = arith.constant 157 : i32
    %barrier3A_9 = arith.constant 0 : index
    tpu.barrier barrier_id(%barrier3A_9)
    "tpu.region"() ({
      %run_scoped3A = tpu.sem_alloc : memref<!tpu.dma_semaphore, #tpu.memory_space<semaphore_mem>>
      %dma_start3A = arith.constant 0 : i32
      %dma_start3A_10 = tpu.memref_slice %arg5[%arg0, %mul3A_0, %dma_start3A] : memref<2x10112x128xf32, #tpu.memory_space<hbm>> -> memref<1x632x128xf32, #tpu.memory_space<hbm>>
      %dma_start3A_11 = tpu.memref_squeeze %dma_start3A_10 : memref<1x632x128xf32, #tpu.memory_space<hbm>> -> memref<632x128xf32, #tpu.memory_space<hbm>>
      %dma_start3A_12 = arith.constant 0 : i32
      %dma_start3A_13 = tpu.memref_slice %arg8[%mul3A_0, %dma_start3A_12] : memref<10112x128xf32, #tpu.memory_space<vmem_shared>> -> memref<632x128xf32, #tpu.memory_space<vmem_shared>>
      tpu.enqueue_dma source(%dma_start3A_13 : memref<632x128xf32, #tpu.memory_space<vmem_shared>>) target(%dma_start3A_11 : memref<632x128xf32, #tpu.memory_space<hbm>>) target_semaphore(%run_scoped3A : memref<!tpu.dma_semaphore, #tpu.memory_space<semaphore_mem>>)
      %dma_wait3A = arith.constant 0 : i32
      %dma_wait3A_14 = tpu.memref_slice %arg5[%arg0, %mul3A_0, %dma_wait3A] : memref<2x10112x128xf32, #tpu.memory_space<hbm>> -> memref<1x632x128xf32, #tpu.memory_space<hbm>>
      %dma_wait3A_15 = tpu.memref_squeeze %dma_wait3A_14 : memref<1x632x128xf32, #tpu.memory_space<hbm>> -> memref<632x128xf32, #tpu.memory_space<hbm>>
      %dma_wait3A_16 = arith.constant 0 : i32
      %dma_wait3A_17 = tpu.memref_slice %arg8[%mul3A_0, %dma_wait3A_16] : memref<10112x128xf32, #tpu.memory_space<vmem_shared>> -> memref<632x128xf32, #tpu.memory_space<vmem_shared>>
      tpu.wait_dma2 semaphore(%run_scoped3A : memref<!tpu.dma_semaphore, #tpu.memory_space<semaphore_mem>>) src(%dma_wait3A_17 : memref<632x128xf32, #tpu.memory_space<vmem_shared>>) dst(%dma_wait3A_15 : memref<632x128xf32, #tpu.memory_space<hbm>>)
      tpu.yield
    }) : () -> ()
    return
  }
}

#map = affine_map<(d0, d1) -> (0, 0)>
#map1 = affine_map<(d0, d1) -> (0, 0, 0)>
module attributes {stable_mosaic.version = 14 : i64} {
  func.func @_sc_agg(%arg0: i32, %arg1: i32, %arg2: memref<20000x128xf32, #tpu.memory_space<hbm>>, %arg3: memref<5024x2x128xi32, #tpu.memory_space<hbm>>, %arg4: memref<10112x128xf32, #tpu.memory_space<hbm>>, %arg5: memref<2x10112x128xf32, #tpu.memory_space<hbm>>, %arg6: memref<2x128xi32, #tpu.memory_space<vmem>>, %arg7: memref<128x128xf32, #tpu.memory_space<vmem>>, %arg8: memref<10112x128xf32, #tpu.memory_space<vmem_shared>>) attributes {dimension_semantics = [#tpu.dimension_semantics<core_parallel>, #tpu.dimension_semantics<subcore_parallel>], iteration_bounds = array<i64: 2, 16>, scalar_prefetch = 0 : i64, scratch_operands = 3 : i64, tpu.core_type = #tpu.core_type<sc_vector_subcore>, window_params = [{transform_indices = #map}, {transform_indices = #map1}, {transform_indices = #map}, {transform_indices = #map1}]} {
    %mul3A = arith.constant 632 : i32
    %mul3A_0 = arith.muli %arg1, %mul3A : i32
    "tpu.region"() ({
      %run_scoped3A = tpu.sem_alloc : memref<!tpu.dma_semaphore, #tpu.memory_space<semaphore_mem>>
      %dma_start3A = arith.constant 0 : i32
      %dma_start3A_10 = tpu.memref_slice %arg8[%mul3A_0, %dma_start3A] : memref<10112x128xf32, #tpu.memory_space<vmem_shared>> -> memref<632x128xf32, #tpu.memory_space<vmem_shared>>
      %dma_start3A_11 = arith.constant 0 : i32
      %dma_start3A_12 = tpu.memref_slice %arg4[%mul3A_0, %dma_start3A_11] : memref<10112x128xf32, #tpu.memory_space<hbm>> -> memref<632x128xf32, #tpu.memory_space<hbm>>
      tpu.enqueue_dma source(%dma_start3A_12 : memref<632x128xf32, #tpu.memory_space<hbm>>) target(%dma_start3A_10 : memref<632x128xf32, #tpu.memory_space<vmem_shared>>) target_semaphore(%run_scoped3A : memref<!tpu.dma_semaphore, #tpu.memory_space<semaphore_mem>>)
      %dma_wait3A = arith.constant 0 : i32
      %dma_wait3A_13 = tpu.memref_slice %arg8[%mul3A_0, %dma_wait3A] : memref<10112x128xf32, #tpu.memory_space<vmem_shared>> -> memref<632x128xf32, #tpu.memory_space<vmem_shared>>
      %dma_wait3A_14 = arith.constant 0 : i32
      %dma_wait3A_15 = tpu.memref_slice %arg4[%mul3A_0, %dma_wait3A_14] : memref<10112x128xf32, #tpu.memory_space<hbm>> -> memref<632x128xf32, #tpu.memory_space<hbm>>
      tpu.wait_dma2 semaphore(%run_scoped3A : memref<!tpu.dma_semaphore, #tpu.memory_space<semaphore_mem>>) src(%dma_wait3A_15 : memref<632x128xf32, #tpu.memory_space<hbm>>) dst(%dma_wait3A_13 : memref<632x128xf32, #tpu.memory_space<vmem_shared>>)
      tpu.yield
    }) : () -> ()
    %barrier3A = arith.constant 0 : index
    tpu.barrier barrier_id(%barrier3A)
    %mul3A_1 = arith.constant 16 : i32
    %mul3A_2 = arith.muli %arg0, %mul3A_1 : i32
    %add3A = arith.addi %mul3A_2, %arg1 : i32
    %mul3A_3 = arith.constant 157 : i32
    %mul3A_4 = arith.muli %add3A, %mul3A_3 : i32
    %scan3A = arith.constant 0 : i32
    %scan3A_5 = arith.constant 157 : i32
    %scan3A_6 = arith.addi %scan3A, %scan3A_5 : i32
    %scan3A_7 = arith.constant 1 : i32
    scf.for %scan3A_10 = %scan3A to %scan3A_6 step %scan3A_7  : i32 {
      %mul3A_11 = arith.constant 1 : i32
      %mul3A_12 = arith.muli %scan3A_10, %mul3A_11 : i32
      %add3A_13 = arith.constant 0 : i32
      %add3A_14 = arith.addi %add3A_13, %mul3A_12 : i32
      %add3A_15 = arith.addi %mul3A_4, %add3A_14 : i32
      "tpu.region"() ({
        %run_scoped3A_17 = tpu.sem_alloc : memref<!tpu.dma_semaphore, #tpu.memory_space<semaphore_mem>>
        %dma_start3A = arith.constant 0 : i32
        %dma_start3A_18 = arith.constant 0 : i32
        %dma_start3A_19 = tpu.memref_slice %arg3[%add3A_15, %dma_start3A, %dma_start3A_18] : memref<5024x2x128xi32, #tpu.memory_space<hbm>> -> memref<1x2x128xi32, #tpu.memory_space<hbm>>
        %dma_start3A_20 = tpu.memref_squeeze %dma_start3A_19 : memref<1x2x128xi32, #tpu.memory_space<hbm>> -> memref<2x128xi32, #tpu.memory_space<hbm>>
        %dma_start3A_21 = arith.constant 0 : i32
        %dma_start3A_22 = arith.constant 0 : i32
        %dma_start3A_23 = tpu.memref_slice %arg3[%add3A_15, %dma_start3A_21, %dma_start3A_22] : memref<5024x2x128xi32, #tpu.memory_space<hbm>> -> memref<1x2x128xi32, #tpu.memory_space<hbm>>
        %dma_start3A_24 = tpu.memref_squeeze %dma_start3A_23 : memref<1x2x128xi32, #tpu.memory_space<hbm>> -> memref<2x128xi32, #tpu.memory_space<hbm>>
        tpu.enqueue_dma source(%dma_start3A_24 : memref<2x128xi32, #tpu.memory_space<hbm>>) target(%arg6 : memref<2x128xi32, #tpu.memory_space<vmem>>) target_semaphore(%run_scoped3A_17 : memref<!tpu.dma_semaphore, #tpu.memory_space<semaphore_mem>>)
        %dma_wait3A = arith.constant 0 : i32
        %dma_wait3A_25 = arith.constant 0 : i32
        %dma_wait3A_26 = tpu.memref_slice %arg3[%add3A_15, %dma_wait3A, %dma_wait3A_25] : memref<5024x2x128xi32, #tpu.memory_space<hbm>> -> memref<1x2x128xi32, #tpu.memory_space<hbm>>
        %dma_wait3A_27 = tpu.memref_squeeze %dma_wait3A_26 : memref<1x2x128xi32, #tpu.memory_space<hbm>> -> memref<2x128xi32, #tpu.memory_space<hbm>>
        %dma_wait3A_28 = arith.constant 0 : i32
        %dma_wait3A_29 = arith.constant 0 : i32
        %dma_wait3A_30 = tpu.memref_slice %arg3[%add3A_15, %dma_wait3A_28, %dma_wait3A_29] : memref<5024x2x128xi32, #tpu.memory_space<hbm>> -> memref<1x2x128xi32, #tpu.memory_space<hbm>>
        %dma_wait3A_31 = tpu.memref_squeeze %dma_wait3A_30 : memref<1x2x128xi32, #tpu.memory_space<hbm>> -> memref<2x128xi32, #tpu.memory_space<hbm>>
        tpu.wait_dma2 semaphore(%run_scoped3A_17 : memref<!tpu.dma_semaphore, #tpu.memory_space<semaphore_mem>>) src(%dma_wait3A_31 : memref<2x128xi32, #tpu.memory_space<hbm>>) dst(%arg6 : memref<2x128xi32, #tpu.memory_space<vmem>>)
        tpu.yield
      }) : () -> ()
      %run_scoped3A = arith.constant 0 : i32
      "tpu.region"() ({
        %run_scoped3A_17 = tpu.sem_alloc : memref<!tpu.dma_semaphore, #tpu.memory_space<semaphore_mem>>
        %dma_start3A = arith.constant 0 : i32
        %dma_start3A_18 = tpu.memref_slice %arg6[%run_scoped3A, %dma_start3A] : memref<2x128xi32, #tpu.memory_space<vmem>> -> memref<1x128xi32, #tpu.memory_space<vmem>>
        %dma_start3A_19 = tpu.memref_squeeze %dma_start3A_18 : memref<1x128xi32, #tpu.memory_space<vmem>> -> memref<128xi32, #tpu.memory_space<vmem>>
        %dma_start3A_20 = arith.constant 0 : i32
        %dma_start3A_21 = arith.constant 0 : i32
        %dma_start3A_22 = tpu.memref_slice %arg2[%dma_start3A_20, %dma_start3A_21] : memref<20000x128xf32, #tpu.memory_space<hbm>> -> memref<20000x128xf32, #tpu.memory_space<hbm>>
        tpu.enqueue_indirect_dma source(%dma_start3A_22 : memref<20000x128xf32, #tpu.memory_space<hbm>>) target(%arg7 : memref<128x128xf32, #tpu.memory_space<vmem>>) offsets(%dma_start3A_19 : memref<128xi32, #tpu.memory_space<vmem>>) semaphore(%run_scoped3A_17 : memref<!tpu.dma_semaphore, #tpu.memory_space<semaphore_mem>>)
        %dma_wait3A = arith.constant 0 : i32
        %dma_wait3A_23 = tpu.memref_slice %arg6[%run_scoped3A, %dma_wait3A] : memref<2x128xi32, #tpu.memory_space<vmem>> -> memref<1x128xi32, #tpu.memory_space<vmem>>
        %dma_wait3A_24 = tpu.memref_squeeze %dma_wait3A_23 : memref<1x128xi32, #tpu.memory_space<vmem>> -> memref<128xi32, #tpu.memory_space<vmem>>
        %dma_wait3A_25 = arith.constant 0 : i32
        %dma_wait3A_26 = arith.constant 0 : i32
        %dma_wait3A_27 = tpu.memref_slice %arg2[%dma_wait3A_25, %dma_wait3A_26] : memref<20000x128xf32, #tpu.memory_space<hbm>> -> memref<20000x128xf32, #tpu.memory_space<hbm>>
        tpu.wait_indirect_dma semaphore(%run_scoped3A_17 : memref<!tpu.dma_semaphore, #tpu.memory_space<semaphore_mem>>) src(%dma_wait3A_27 : memref<20000x128xf32, #tpu.memory_space<hbm>>) dst(%arg7 : memref<128x128xf32, #tpu.memory_space<vmem>>)
        tpu.yield
      }) : () -> ()
      %run_scoped3A_16 = arith.constant 1 : i32
      "tpu.region"() ({
        %run_scoped3A_17 = tpu.sem_alloc : memref<!tpu.dma_semaphore, #tpu.memory_space<semaphore_mem>>
        %dma_start3A = arith.constant 0 : i32
        %dma_start3A_18 = tpu.memref_slice %arg6[%run_scoped3A_16, %dma_start3A] : memref<2x128xi32, #tpu.memory_space<vmem>> -> memref<1x128xi32, #tpu.memory_space<vmem>>
        %dma_start3A_19 = tpu.memref_squeeze %dma_start3A_18 : memref<1x128xi32, #tpu.memory_space<vmem>> -> memref<128xi32, #tpu.memory_space<vmem>>
        %dma_start3A_20 = arith.constant 0 : i32
        %dma_start3A_21 = arith.constant 0 : i32
        %dma_start3A_22 = tpu.memref_slice %arg8[%dma_start3A_20, %dma_start3A_21] : memref<10112x128xf32, #tpu.memory_space<vmem_shared>> -> memref<10112x128xf32, #tpu.memory_space<vmem_shared>>
        tpu.enqueue_indirect_dma source(%arg7 : memref<128x128xf32, #tpu.memory_space<vmem>>) target(%dma_start3A_22 : memref<10112x128xf32, #tpu.memory_space<vmem_shared>>) offsets(%dma_start3A_19 : memref<128xi32, #tpu.memory_space<vmem>>) semaphore(%run_scoped3A_17 : memref<!tpu.dma_semaphore, #tpu.memory_space<semaphore_mem>>) {add = true}
        %dma_wait3A = arith.constant 0 : i32
        %dma_wait3A_23 = tpu.memref_slice %arg6[%run_scoped3A_16, %dma_wait3A] : memref<2x128xi32, #tpu.memory_space<vmem>> -> memref<1x128xi32, #tpu.memory_space<vmem>>
        %dma_wait3A_24 = tpu.memref_squeeze %dma_wait3A_23 : memref<1x128xi32, #tpu.memory_space<vmem>> -> memref<128xi32, #tpu.memory_space<vmem>>
        %dma_wait3A_25 = arith.constant 0 : i32
        %dma_wait3A_26 = arith.constant 0 : i32
        %dma_wait3A_27 = tpu.memref_slice %arg8[%dma_wait3A_25, %dma_wait3A_26] : memref<10112x128xf32, #tpu.memory_space<vmem_shared>> -> memref<10112x128xf32, #tpu.memory_space<vmem_shared>>
        tpu.wait_indirect_dma semaphore(%run_scoped3A_17 : memref<!tpu.dma_semaphore, #tpu.memory_space<semaphore_mem>>) src(%arg7 : memref<128x128xf32, #tpu.memory_space<vmem>>) dst(%dma_wait3A_27 : memref<10112x128xf32, #tpu.memory_space<vmem_shared>>)
        tpu.yield
      }) : () -> ()
    }
    %scan3A_8 = arith.constant 157 : i32
    %barrier3A_9 = arith.constant 0 : index
    tpu.barrier barrier_id(%barrier3A_9)
    "tpu.region"() ({
      %run_scoped3A = tpu.sem_alloc : memref<!tpu.dma_semaphore, #tpu.memory_space<semaphore_mem>>
      %dma_start3A = arith.constant 0 : i32
      %dma_start3A_10 = tpu.memref_slice %arg5[%arg0, %mul3A_0, %dma_start3A] : memref<2x10112x128xf32, #tpu.memory_space<hbm>> -> memref<1x632x128xf32, #tpu.memory_space<hbm>>
      %dma_start3A_11 = tpu.memref_squeeze %dma_start3A_10 : memref<1x632x128xf32, #tpu.memory_space<hbm>> -> memref<632x128xf32, #tpu.memory_space<hbm>>
      %dma_start3A_12 = arith.constant 0 : i32
      %dma_start3A_13 = tpu.memref_slice %arg8[%mul3A_0, %dma_start3A_12] : memref<10112x128xf32, #tpu.memory_space<vmem_shared>> -> memref<632x128xf32, #tpu.memory_space<vmem_shared>>
      tpu.enqueue_dma source(%dma_start3A_13 : memref<632x128xf32, #tpu.memory_space<vmem_shared>>) target(%dma_start3A_11 : memref<632x128xf32, #tpu.memory_space<hbm>>) target_semaphore(%run_scoped3A : memref<!tpu.dma_semaphore, #tpu.memory_space<semaphore_mem>>)
      %dma_wait3A = arith.constant 0 : i32
      %dma_wait3A_14 = tpu.memref_slice %arg5[%arg0, %mul3A_0, %dma_wait3A] : memref<2x10112x128xf32, #tpu.memory_space<hbm>> -> memref<1x632x128xf32, #tpu.memory_space<hbm>>
      %dma_wait3A_15 = tpu.memref_squeeze %dma_wait3A_14 : memref<1x632x128xf32, #tpu.memory_space<hbm>> -> memref<632x128xf32, #tpu.memory_space<hbm>>
      %dma_wait3A_16 = arith.constant 0 : i32
      %dma_wait3A_17 = tpu.memref_slice %arg8[%mul3A_0, %dma_wait3A_16] : memref<10112x128xf32, #tpu.memory_space<vmem_shared>> -> memref<632x128xf32, #tpu.memory_space<vmem_shared>>
      tpu.wait_dma2 semaphore(%run_scoped3A : memref<!tpu.dma_semaphore, #tpu.memory_space<semaphore_mem>>) src(%dma_wait3A_17 : memref<632x128xf32, #tpu.memory_space<vmem_shared>>) dst(%dma_wait3A_15 : memref<632x128xf32, #tpu.memory_space<hbm>>)
      tpu.yield
    }) : () -> ()
    return
  }
}

#map = affine_map<(d0, d1) -> (0, 0)>
#map1 = affine_map<(d0, d1) -> (0, 0, 0)>
module attributes {stable_mosaic.version = 14 : i64} {
  func.func @_sc_counts(%arg0: i32, %arg1: i32, %arg2: memref<5120x128xi32, #tpu.memory_space<hbm>>, %arg3: memref<10112x128xf32, #tpu.memory_space<hbm>>, %arg4: memref<128x128xf32, #tpu.memory_space<hbm>>, %arg5: memref<2x10112x128xf32, #tpu.memory_space<hbm>>, %arg6: memref<160x128xi32, #tpu.memory_space<vmem>>, %arg7: memref<128x128xf32, #tpu.memory_space<vmem>>, %arg8: memref<10112x128xf32, #tpu.memory_space<vmem_shared>>) attributes {dimension_semantics = [#tpu.dimension_semantics<core_parallel>, #tpu.dimension_semantics<subcore_parallel>], iteration_bounds = array<i64: 2, 16>, scalar_prefetch = 0 : i64, scratch_operands = 3 : i64, tpu.core_type = #tpu.core_type<sc_vector_subcore>, window_params = [{transform_indices = #map}, {transform_indices = #map}, {transform_indices = #map}, {transform_indices = #map1}]} {
    %mul3A = arith.constant 632 : i32
    %mul3A_0 = arith.muli %arg1, %mul3A : i32
    "tpu.region"() ({
      %run_scoped3A = tpu.sem_alloc : memref<!tpu.dma_semaphore, #tpu.memory_space<semaphore_mem>>
      %dma_start3A = arith.constant 0 : i32
      %dma_start3A_10 = tpu.memref_slice %arg8[%mul3A_0, %dma_start3A] : memref<10112x128xf32, #tpu.memory_space<vmem_shared>> -> memref<632x128xf32, #tpu.memory_space<vmem_shared>>
      %dma_start3A_11 = arith.constant 0 : i32
      %dma_start3A_12 = tpu.memref_slice %arg3[%mul3A_0, %dma_start3A_11] : memref<10112x128xf32, #tpu.memory_space<hbm>> -> memref<632x128xf32, #tpu.memory_space<hbm>>
      tpu.enqueue_dma source(%dma_start3A_12 : memref<632x128xf32, #tpu.memory_space<hbm>>) target(%dma_start3A_10 : memref<632x128xf32, #tpu.memory_space<vmem_shared>>) target_semaphore(%run_scoped3A : memref<!tpu.dma_semaphore, #tpu.memory_space<semaphore_mem>>)
      %dma_wait3A = arith.constant 0 : i32
      %dma_wait3A_13 = tpu.memref_slice %arg8[%mul3A_0, %dma_wait3A] : memref<10112x128xf32, #tpu.memory_space<vmem_shared>> -> memref<632x128xf32, #tpu.memory_space<vmem_shared>>
      %dma_wait3A_14 = arith.constant 0 : i32
      %dma_wait3A_15 = tpu.memref_slice %arg3[%mul3A_0, %dma_wait3A_14] : memref<10112x128xf32, #tpu.memory_space<hbm>> -> memref<632x128xf32, #tpu.memory_space<hbm>>
      tpu.wait_dma2 semaphore(%run_scoped3A : memref<!tpu.dma_semaphore, #tpu.memory_space<semaphore_mem>>) src(%dma_wait3A_15 : memref<632x128xf32, #tpu.memory_space<hbm>>) dst(%dma_wait3A_13 : memref<632x128xf32, #tpu.memory_space<vmem_shared>>)
      tpu.yield
    }) : () -> ()
    %mul3A_1 = arith.constant 16 : i32
    %mul3A_2 = arith.muli %arg0, %mul3A_1 : i32
    %add3A = arith.addi %mul3A_2, %arg1 : i32
    %mul3A_3 = arith.constant 160 : i32
    %mul3A_4 = arith.muli %add3A, %mul3A_3 : i32
    "tpu.region"() ({
      %run_scoped3A = tpu.sem_alloc : memref<!tpu.dma_semaphore, #tpu.memory_space<semaphore_mem>>
      %dma_start3A = arith.constant 0 : i32
      %dma_start3A_10 = tpu.memref_slice %arg2[%mul3A_4, %dma_start3A] : memref<5120x128xi32, #tpu.memory_space<hbm>> -> memref<160x128xi32, #tpu.memory_space<hbm>>
      %dma_start3A_11 = arith.constant 0 : i32
      %dma_start3A_12 = tpu.memref_slice %arg2[%mul3A_4, %dma_start3A_11] : memref<5120x128xi32, #tpu.memory_space<hbm>> -> memref<160x128xi32, #tpu.memory_space<hbm>>
      tpu.enqueue_dma source(%dma_start3A_12 : memref<160x128xi32, #tpu.memory_space<hbm>>) target(%arg6 : memref<160x128xi32, #tpu.memory_space<vmem>>) target_semaphore(%run_scoped3A : memref<!tpu.dma_semaphore, #tpu.memory_space<semaphore_mem>>)
      %dma_wait3A = arith.constant 0 : i32
      %dma_wait3A_13 = tpu.memref_slice %arg2[%mul3A_4, %dma_wait3A] : memref<5120x128xi32, #tpu.memory_space<hbm>> -> memref<160x128xi32, #tpu.memory_space<hbm>>
      %dma_wait3A_14 = arith.constant 0 : i32
      %dma_wait3A_15 = tpu.memref_slice %arg2[%mul3A_4, %dma_wait3A_14] : memref<5120x128xi32, #tpu.memory_space<hbm>> -> memref<160x128xi32, #tpu.memory_space<hbm>>
      tpu.wait_dma2 semaphore(%run_scoped3A : memref<!tpu.dma_semaphore, #tpu.memory_space<semaphore_mem>>) src(%dma_wait3A_15 : memref<160x128xi32, #tpu.memory_space<hbm>>) dst(%arg6 : memref<160x128xi32, #tpu.memory_space<vmem>>)
      tpu.yield
    }) : () -> ()
    "tpu.region"() ({
      %run_scoped3A = tpu.sem_alloc : memref<!tpu.dma_semaphore, #tpu.memory_space<semaphore_mem>>
      tpu.enqueue_dma source(%arg4 : memref<128x128xf32, #tpu.memory_space<hbm>>) target(%arg7 : memref<128x128xf32, #tpu.memory_space<vmem>>) target_semaphore(%run_scoped3A : memref<!tpu.dma_semaphore, #tpu.memory_space<semaphore_mem>>)
      tpu.wait_dma2 semaphore(%run_scoped3A : memref<!tpu.dma_semaphore, #tpu.memory_space<semaphore_mem>>) src(%arg4 : memref<128x128xf32, #tpu.memory_space<hbm>>) dst(%arg7 : memref<128x128xf32, #tpu.memory_space<vmem>>)
      tpu.yield
    }) : () -> ()
    %barrier3A = arith.constant 0 : index
    tpu.barrier barrier_id(%barrier3A)
    %scan3A = arith.constant 0 : i32
    %scan3A_5 = arith.constant 160 : i32
    %scan3A_6 = arith.addi %scan3A, %scan3A_5 : i32
    %scan3A_7 = arith.constant 1 : i32
    scf.for %scan3A_10 = %scan3A to %scan3A_6 step %scan3A_7  : i32 {
      %mul3A_11 = arith.constant 1 : i32
      %mul3A_12 = arith.muli %scan3A_10, %mul3A_11 : i32
      %add3A_13 = arith.constant 0 : i32
      %add3A_14 = arith.addi %add3A_13, %mul3A_12 : i32
      "tpu.region"() ({
        %run_scoped3A = tpu.sem_alloc : memref<!tpu.dma_semaphore, #tpu.memory_space<semaphore_mem>>
        %dma_start3A = arith.constant 0 : i32
        %dma_start3A_15 = tpu.memref_slice %arg6[%add3A_14, %dma_start3A] : memref<160x128xi32, #tpu.memory_space<vmem>> -> memref<1x128xi32, #tpu.memory_space<vmem>>
        %dma_start3A_16 = tpu.memref_squeeze %dma_start3A_15 : memref<1x128xi32, #tpu.memory_space<vmem>> -> memref<128xi32, #tpu.memory_space<vmem>>
        %dma_start3A_17 = arith.constant 0 : i32
        %dma_start3A_18 = arith.constant 0 : i32
        %dma_start3A_19 = tpu.memref_slice %arg8[%dma_start3A_17, %dma_start3A_18] : memref<10112x128xf32, #tpu.memory_space<vmem_shared>> -> memref<10112x128xf32, #tpu.memory_space<vmem_shared>>
        tpu.enqueue_indirect_dma source(%arg7 : memref<128x128xf32, #tpu.memory_space<vmem>>) target(%dma_start3A_19 : memref<10112x128xf32, #tpu.memory_space<vmem_shared>>) offsets(%dma_start3A_16 : memref<128xi32, #tpu.memory_space<vmem>>) semaphore(%run_scoped3A : memref<!tpu.dma_semaphore, #tpu.memory_space<semaphore_mem>>) {add = true}
        %dma_wait3A = arith.constant 0 : i32
        %dma_wait3A_20 = tpu.memref_slice %arg6[%add3A_14, %dma_wait3A] : memref<160x128xi32, #tpu.memory_space<vmem>> -> memref<1x128xi32, #tpu.memory_space<vmem>>
        %dma_wait3A_21 = tpu.memref_squeeze %dma_wait3A_20 : memref<1x128xi32, #tpu.memory_space<vmem>> -> memref<128xi32, #tpu.memory_space<vmem>>
        %dma_wait3A_22 = arith.constant 0 : i32
        %dma_wait3A_23 = arith.constant 0 : i32
        %dma_wait3A_24 = tpu.memref_slice %arg8[%dma_wait3A_22, %dma_wait3A_23] : memref<10112x128xf32, #tpu.memory_space<vmem_shared>> -> memref<10112x128xf32, #tpu.memory_space<vmem_shared>>
        tpu.wait_indirect_dma semaphore(%run_scoped3A : memref<!tpu.dma_semaphore, #tpu.memory_space<semaphore_mem>>) src(%arg7 : memref<128x128xf32, #tpu.memory_space<vmem>>) dst(%dma_wait3A_24 : memref<10112x128xf32, #tpu.memory_space<vmem_shared>>)
        tpu.yield
      }) : () -> ()
    }
    %scan3A_8 = arith.constant 160 : i32
    %barrier3A_9 = arith.constant 0 : index
    tpu.barrier barrier_id(%barrier3A_9)
    "tpu.region"() ({
      %run_scoped3A = tpu.sem_alloc : memref<!tpu.dma_semaphore, #tpu.memory_space<semaphore_mem>>
      %dma_start3A = arith.constant 0 : i32
      %dma_start3A_10 = tpu.memref_slice %arg5[%arg0, %mul3A_0, %dma_start3A] : memref<2x10112x128xf32, #tpu.memory_space<hbm>> -> memref<1x632x128xf32, #tpu.memory_space<hbm>>
      %dma_start3A_11 = tpu.memref_squeeze %dma_start3A_10 : memref<1x632x128xf32, #tpu.memory_space<hbm>> -> memref<632x128xf32, #tpu.memory_space<hbm>>
      %dma_start3A_12 = arith.constant 0 : i32
      %dma_start3A_13 = tpu.memref_slice %arg8[%mul3A_0, %dma_start3A_12] : memref<10112x128xf32, #tpu.memory_space<vmem_shared>> -> memref<632x128xf32, #tpu.memory_space<vmem_shared>>
      tpu.enqueue_dma source(%dma_start3A_13 : memref<632x128xf32, #tpu.memory_space<vmem_shared>>) target(%dma_start3A_11 : memref<632x128xf32, #tpu.memory_space<hbm>>) target_semaphore(%run_scoped3A : memref<!tpu.dma_semaphore, #tpu.memory_space<semaphore_mem>>)
      %dma_wait3A = arith.constant 0 : i32
      %dma_wait3A_14 = tpu.memref_slice %arg5[%arg0, %mul3A_0, %dma_wait3A] : memref<2x10112x128xf32, #tpu.memory_space<hbm>> -> memref<1x632x128xf32, #tpu.memory_space<hbm>>
      %dma_wait3A_15 = tpu.memref_squeeze %dma_wait3A_14 : memref<1x632x128xf32, #tpu.memory_space<hbm>> -> memref<632x128xf32, #tpu.memory_space<hbm>>
      %dma_wait3A_16 = arith.constant 0 : i32
      %dma_wait3A_17 = tpu.memref_slice %arg8[%mul3A_0, %dma_wait3A_16] : memref<10112x128xf32, #tpu.memory_space<vmem_shared>> -> memref<632x128xf32, #tpu.memory_space<vmem_shared>>
      tpu.wait_dma2 semaphore(%run_scoped3A : memref<!tpu.dma_semaphore, #tpu.memory_space<semaphore_mem>>) src(%dma_wait3A_17 : memref<632x128xf32, #tpu.memory_space<vmem_shared>>) dst(%dma_wait3A_15 : memref<632x128xf32, #tpu.memory_space<hbm>>)
      tpu.yield
    }) : () -> ()
    return
  }
}

#map = affine_map<(d0, d1) -> (0, 0)>
#map1 = affine_map<(d0, d1) -> (0)>
module attributes {stable_mosaic.version = 14 : i64} {
  func.func @_sc_classify(%arg0: i32, %arg1: i32, %arg2: memref<20000x128xf32, #tpu.memory_space<hbm>>, %arg3: memref<102400xi32, #tpu.memory_space<hbm>>, %arg4: memref<102400xi32, #tpu.memory_space<hbm>>, %arg5: memref<102400xf32, #tpu.memory_space<hbm>>, %arg6: memref<1x128xi32, #tpu.memory_space<vmem>>, %arg7: memref<1x128xi32, #tpu.memory_space<vmem>>, %arg8: memref<128x128xf32, #tpu.memory_space<vmem>>, %arg9: memref<128x128xf32, #tpu.memory_space<vmem>>, %arg10: memref<1x128xf32, #tpu.memory_space<vmem>>, %arg11: memref<16x16xf32, #tpu.memory_space<vmem>>) attributes {dimension_semantics = [#tpu.dimension_semantics<core_parallel>, #tpu.dimension_semantics<subcore_parallel>], iteration_bounds = array<i64: 2, 16>, scalar_prefetch = 0 : i64, scratch_operands = 6 : i64, tpu.core_type = #tpu.core_type<sc_vector_subcore>, window_params = [{transform_indices = #map}, {transform_indices = #map1}, {transform_indices = #map1}, {transform_indices = #map1}]} {
    %mul3A = arith.constant 16 : i32
    %mul3A_0 = arith.muli %arg0, %mul3A : i32
    %add3A = arith.addi %mul3A_0, %arg1 : i32
    %mul3A_1 = arith.constant 25 : i32
    %mul3A_2 = arith.muli %add3A, %mul3A_1 : i32
    %scan3A = arith.constant 0 : i32
    %scan3A_3 = arith.constant 25 : i32
    %scan3A_4 = arith.addi %scan3A, %scan3A_3 : i32
    %scan3A_5 = arith.constant 1 : i32
    scf.for %scan3A_7 = %scan3A to %scan3A_4 step %scan3A_5  : i32 {
      %mul3A_8 = arith.constant 1 : i32
      %mul3A_9 = arith.muli %scan3A_7, %mul3A_8 : i32
      %add3A_10 = arith.constant 0 : i32
      %add3A_11 = arith.addi %add3A_10, %mul3A_9 : i32
      %add3A_12 = arith.addi %mul3A_2, %add3A_11 : i32
      %mul3A_13 = arith.constant 128 : i32
      %mul3A_14 = arith.muli %add3A_12, %mul3A_13 : i32
      %run_scoped3A = arith.constant 0 : i32
      "tpu.region"() ({
        %run_scoped3A_24 = tpu.sem_alloc : memref<!tpu.dma_semaphore, #tpu.memory_space<semaphore_mem>>
        %dma_start3A = arith.constant 0 : i32
        %dma_start3A_25 = tpu.memref_slice %arg6[%run_scoped3A, %dma_start3A] : memref<1x128xi32, #tpu.memory_space<vmem>> -> memref<1x128xi32, #tpu.memory_space<vmem>>
        %dma_start3A_26 = tpu.memref_squeeze %dma_start3A_25 : memref<1x128xi32, #tpu.memory_space<vmem>> -> memref<128xi32, #tpu.memory_space<vmem>>
        %dma_start3A_27 = tpu.memref_slice %arg3[%mul3A_14] : memref<102400xi32, #tpu.memory_space<hbm>> -> memref<128xi32, #tpu.memory_space<hbm>>
        %dma_start3A_28 = arith.constant 0 : i32
        %dma_start3A_29 = tpu.memref_slice %arg6[%run_scoped3A, %dma_start3A_28] : memref<1x128xi32, #tpu.memory_space<vmem>> -> memref<1x128xi32, #tpu.memory_space<vmem>>
        %dma_start3A_30 = tpu.memref_squeeze %dma_start3A_29 : memref<1x128xi32, #tpu.memory_space<vmem>> -> memref<128xi32, #tpu.memory_space<vmem>>
        %dma_start3A_31 = tpu.memref_slice %arg3[%mul3A_14] : memref<102400xi32, #tpu.memory_space<hbm>> -> memref<128xi32, #tpu.memory_space<hbm>>
        tpu.enqueue_dma source(%dma_start3A_31 : memref<128xi32, #tpu.memory_space<hbm>>) target(%dma_start3A_30 : memref<128xi32, #tpu.memory_space<vmem>>) target_semaphore(%run_scoped3A_24 : memref<!tpu.dma_semaphore, #tpu.memory_space<semaphore_mem>>)
        %dma_wait3A = arith.constant 0 : i32
        %dma_wait3A_32 = tpu.memref_slice %arg6[%run_scoped3A, %dma_wait3A] : memref<1x128xi32, #tpu.memory_space<vmem>> -> memref<1x128xi32, #tpu.memory_space<vmem>>
        %dma_wait3A_33 = tpu.memref_squeeze %dma_wait3A_32 : memref<1x128xi32, #tpu.memory_space<vmem>> -> memref<128xi32, #tpu.memory_space<vmem>>
        %dma_wait3A_34 = tpu.memref_slice %arg3[%mul3A_14] : memref<102400xi32, #tpu.memory_space<hbm>> -> memref<128xi32, #tpu.memory_space<hbm>>
        %dma_wait3A_35 = arith.constant 0 : i32
        %dma_wait3A_36 = tpu.memref_slice %arg6[%run_scoped3A, %dma_wait3A_35] : memref<1x128xi32, #tpu.memory_space<vmem>> -> memref<1x128xi32, #tpu.memory_space<vmem>>
        %dma_wait3A_37 = tpu.memref_squeeze %dma_wait3A_36 : memref<1x128xi32, #tpu.memory_space<vmem>> -> memref<128xi32, #tpu.memory_space<vmem>>
        %dma_wait3A_38 = tpu.memref_slice %arg3[%mul3A_14] : memref<102400xi32, #tpu.memory_space<hbm>> -> memref<128xi32, #tpu.memory_space<hbm>>
        tpu.wait_dma2 semaphore(%run_scoped3A_24 : memref<!tpu.dma_semaphore, #tpu.memory_space<semaphore_mem>>) src(%dma_wait3A_38 : memref<128xi32, #tpu.memory_space<hbm>>) dst(%dma_wait3A_37 : memref<128xi32, #tpu.memory_space<vmem>>)
        tpu.yield
      }) : () -> ()
      %run_scoped3A_15 = arith.constant 0 : i32
      "tpu.region"() ({
        %run_scoped3A_24 = tpu.sem_alloc : memref<!tpu.dma_semaphore, #tpu.memory_space<semaphore_mem>>
        %dma_start3A = arith.constant 0 : i32
        %dma_start3A_25 = tpu.memref_slice %arg7[%run_scoped3A_15, %dma_start3A] : memref<1x128xi32, #tpu.memory_space<vmem>> -> memref<1x128xi32, #tpu.memory_space<vmem>>
        %dma_start3A_26 = tpu.memref_squeeze %dma_start3A_25 : memref<1x128xi32, #tpu.memory_space<vmem>> -> memref<128xi32, #tpu.memory_space<vmem>>
        %dma_start3A_27 = tpu.memref_slice %arg4[%mul3A_14] : memref<102400xi32, #tpu.memory_space<hbm>> -> memref<128xi32, #tpu.memory_space<hbm>>
        %dma_start3A_28 = arith.constant 0 : i32
        %dma_start3A_29 = tpu.memref_slice %arg7[%run_scoped3A_15, %dma_start3A_28] : memref<1x128xi32, #tpu.memory_space<vmem>> -> memref<1x128xi32, #tpu.memory_space<vmem>>
        %dma_start3A_30 = tpu.memref_squeeze %dma_start3A_29 : memref<1x128xi32, #tpu.memory_space<vmem>> -> memref<128xi32, #tpu.memory_space<vmem>>
        %dma_start3A_31 = tpu.memref_slice %arg4[%mul3A_14] : memref<102400xi32, #tpu.memory_space<hbm>> -> memref<128xi32, #tpu.memory_space<hbm>>
        tpu.enqueue_dma source(%dma_start3A_31 : memref<128xi32, #tpu.memory_space<hbm>>) target(%dma_start3A_30 : memref<128xi32, #tpu.memory_space<vmem>>) target_semaphore(%run_scoped3A_24 : memref<!tpu.dma_semaphore, #tpu.memory_space<semaphore_mem>>)
        %dma_wait3A = arith.constant 0 : i32
        %dma_wait3A_32 = tpu.memref_slice %arg7[%run_scoped3A_15, %dma_wait3A] : memref<1x128xi32, #tpu.memory_space<vmem>> -> memref<1x128xi32, #tpu.memory_space<vmem>>
        %dma_wait3A_33 = tpu.memref_squeeze %dma_wait3A_32 : memref<1x128xi32, #tpu.memory_space<vmem>> -> memref<128xi32, #tpu.memory_space<vmem>>
        %dma_wait3A_34 = tpu.memref_slice %arg4[%mul3A_14] : memref<102400xi32, #tpu.memory_space<hbm>> -> memref<128xi32, #tpu.memory_space<hbm>>
        %dma_wait3A_35 = arith.constant 0 : i32
        %dma_wait3A_36 = tpu.memref_slice %arg7[%run_scoped3A_15, %dma_wait3A_35] : memref<1x128xi32, #tpu.memory_space<vmem>> -> memref<1x128xi32, #tpu.memory_space<vmem>>
        %dma_wait3A_37 = tpu.memref_squeeze %dma_wait3A_36 : memref<1x128xi32, #tpu.memory_space<vmem>> -> memref<128xi32, #tpu.memory_space<vmem>>
        %dma_wait3A_38 = tpu.memref_slice %arg4[%mul3A_14] : memref<102400xi32, #tpu.memory_space<hbm>> -> memref<128xi32, #tpu.memory_space<hbm>>
        tpu.wait_dma2 semaphore(%run_scoped3A_24 : memref<!tpu.dma_semaphore, #tpu.memory_space<semaphore_mem>>) src(%dma_wait3A_38 : memref<128xi32, #tpu.memory_space<hbm>>) dst(%dma_wait3A_37 : memref<128xi32, #tpu.memory_space<vmem>>)
        tpu.yield
      }) : () -> ()
      %run_scoped3A_16 = arith.constant 0 : i32
      "tpu.region"() ({
        %run_scoped3A_24 = tpu.sem_alloc : memref<!tpu.dma_semaphore, #tpu.memory_space<semaphore_mem>>
        %dma_start3A = arith.constant 0 : i32
        %dma_start3A_25 = tpu.memref_slice %arg6[%run_scoped3A_16, %dma_start3A] : memref<1x128xi32, #tpu.memory_space<vmem>> -> memref<1x128xi32, #tpu.memory_space<vmem>>
        %dma_start3A_26 = tpu.memref_squeeze %dma_start3A_25 : memref<1x128xi32, #tpu.memory_space<vmem>> -> memref<128xi32, #tpu.memory_space<vmem>>
        %dma_start3A_27 = arith.constant 0 : i32
        %dma_start3A_28 = arith.constant 0 : i32
        %dma_start3A_29 = tpu.memref_slice %arg2[%dma_start3A_27, %dma_start3A_28] : memref<20000x128xf32, #tpu.memory_space<hbm>> -> memref<20000x128xf32, #tpu.memory_space<hbm>>
        tpu.enqueue_indirect_dma source(%dma_start3A_29 : memref<20000x128xf32, #tpu.memory_space<hbm>>) target(%arg8 : memref<128x128xf32, #tpu.memory_space<vmem>>) offsets(%dma_start3A_26 : memref<128xi32, #tpu.memory_space<vmem>>) semaphore(%run_scoped3A_24 : memref<!tpu.dma_semaphore, #tpu.memory_space<semaphore_mem>>)
        %dma_wait3A = arith.constant 0 : i32
        %dma_wait3A_30 = tpu.memref_slice %arg6[%run_scoped3A_16, %dma_wait3A] : memref<1x128xi32, #tpu.memory_space<vmem>> -> memref<1x128xi32, #tpu.memory_space<vmem>>
        %dma_wait3A_31 = tpu.memref_squeeze %dma_wait3A_30 : memref<1x128xi32, #tpu.memory_space<vmem>> -> memref<128xi32, #tpu.memory_space<vmem>>
        %dma_wait3A_32 = arith.constant 0 : i32
        %dma_wait3A_33 = arith.constant 0 : i32
        %dma_wait3A_34 = tpu.memref_slice %arg2[%dma_wait3A_32, %dma_wait3A_33] : memref<20000x128xf32, #tpu.memory_space<hbm>> -> memref<20000x128xf32, #tpu.memory_space<hbm>>
        tpu.wait_indirect_dma semaphore(%run_scoped3A_24 : memref<!tpu.dma_semaphore, #tpu.memory_space<semaphore_mem>>) src(%dma_wait3A_34 : memref<20000x128xf32, #tpu.memory_space<hbm>>) dst(%arg8 : memref<128x128xf32, #tpu.memory_space<vmem>>)
        tpu.yield
      }) : () -> ()
      %run_scoped3A_17 = arith.constant 0 : i32
      "tpu.region"() ({
        %run_scoped3A_24 = tpu.sem_alloc : memref<!tpu.dma_semaphore, #tpu.memory_space<semaphore_mem>>
        %dma_start3A = arith.constant 0 : i32
        %dma_start3A_25 = tpu.memref_slice %arg7[%run_scoped3A_17, %dma_start3A] : memref<1x128xi32, #tpu.memory_space<vmem>> -> memref<1x128xi32, #tpu.memory_space<vmem>>
        %dma_start3A_26 = tpu.memref_squeeze %dma_start3A_25 : memref<1x128xi32, #tpu.memory_space<vmem>> -> memref<128xi32, #tpu.memory_space<vmem>>
        %dma_start3A_27 = arith.constant 0 : i32
        %dma_start3A_28 = arith.constant 0 : i32
        %dma_start3A_29 = tpu.memref_slice %arg2[%dma_start3A_27, %dma_start3A_28] : memref<20000x128xf32, #tpu.memory_space<hbm>> -> memref<20000x128xf32, #tpu.memory_space<hbm>>
        tpu.enqueue_indirect_dma source(%dma_start3A_29 : memref<20000x128xf32, #tpu.memory_space<hbm>>) target(%arg9 : memref<128x128xf32, #tpu.memory_space<vmem>>) offsets(%dma_start3A_26 : memref<128xi32, #tpu.memory_space<vmem>>) semaphore(%run_scoped3A_24 : memref<!tpu.dma_semaphore, #tpu.memory_space<semaphore_mem>>)
        %dma_wait3A = arith.constant 0 : i32
        %dma_wait3A_30 = tpu.memref_slice %arg7[%run_scoped3A_17, %dma_wait3A] : memref<1x128xi32, #tpu.memory_space<vmem>> -> memref<1x128xi32, #tpu.memory_space<vmem>>
        %dma_wait3A_31 = tpu.memref_squeeze %dma_wait3A_30 : memref<1x128xi32, #tpu.memory_space<vmem>> -> memref<128xi32, #tpu.memory_space<vmem>>
        %dma_wait3A_32 = arith.constant 0 : i32
        %dma_wait3A_33 = arith.constant 0 : i32
        %dma_wait3A_34 = tpu.memref_slice %arg2[%dma_wait3A_32, %dma_wait3A_33] : memref<20000x128xf32, #tpu.memory_space<hbm>> -> memref<20000x128xf32, #tpu.memory_space<hbm>>
        tpu.wait_indirect_dma semaphore(%run_scoped3A_24 : memref<!tpu.dma_semaphore, #tpu.memory_space<semaphore_mem>>) src(%dma_wait3A_34 : memref<20000x128xf32, #tpu.memory_space<hbm>>) dst(%arg9 : memref<128x128xf32, #tpu.memory_space<vmem>>)
        tpu.yield
      }) : () -> ()
      %scan3A_18 = arith.constant 0 : i32
      %scan3A_19 = arith.constant 8 : i32
      %scan3A_20 = arith.addi %scan3A_18, %scan3A_19 : i32
      %scan3A_21 = arith.constant 1 : i32
      scf.for %scan3A_24 = %scan3A_18 to %scan3A_20 step %scan3A_21  : i32 {
        %mul3A_25 = arith.constant 1 : i32
        %mul3A_26 = arith.muli %scan3A_24, %mul3A_25 : i32
        %add3A_27 = arith.constant 0 : i32
        %add3A_28 = arith.addi %add3A_27, %mul3A_26 : i32
        %scan3A_29 = arith.constant 0 : i32
        %scan3A_30 = arith.constant 16 : i32
        %scan3A_31 = arith.addi %scan3A_29, %scan3A_30 : i32
        %scan3A_32 = arith.constant 1 : i32
        scf.for %scan3A_103 = %scan3A_29 to %scan3A_31 step %scan3A_32  : i32 {
          %mul3A_104 = arith.constant 1 : i32
          %mul3A_105 = arith.muli %scan3A_103, %mul3A_104 : i32
          %add3A_106 = arith.constant 0 : i32
          %add3A_107 = arith.addi %add3A_106, %mul3A_105 : i32
          %mul3A_108 = arith.constant 16 : i32
          %mul3A_109 = arith.muli %add3A_28, %mul3A_108 : i32
          %add3A_110 = arith.addi %mul3A_109, %add3A_107 : i32
          %get3A = arith.index_cast %add3A_110 : i32 to index
          %get3A_111 = arith.constant 0 : index
          %get3A_112 = tpu.vector_load %arg8[%get3A, %get3A_111] {strides = array<i32>} : memref<128x128xf32, #tpu.memory_space<vmem>>, vector<16xf32>,
          %get3A_113 = arith.index_cast %add3A_110 : i32 to index
          %get3A_114 = arith.constant 0 : index
          %get3A_115 = tpu.vector_load %arg9[%get3A_113, %get3A_114] {strides = array<i32>} : memref<128x128xf32, #tpu.memory_space<vmem>>, vector<16xf32>,
          %mul3A_116 = arith.mulf %get3A_112, %get3A_115 : vector<16xf32>
          %get3A_117 = arith.index_cast %add3A_110 : i32 to index
          %get3A_118 = arith.constant 16 : index
          %get3A_119 = tpu.vector_load %arg8[%get3A_117, %get3A_118] {strides = array<i32>} : memref<128x128xf32, #tpu.memory_space<vmem>>, vector<16xf32>,
          %get3A_120 = arith.index_cast %add3A_110 : i32 to index
          %get3A_121 = arith.constant 16 : index
          %get3A_122 = tpu.vector_load %arg9[%get3A_120, %get3A_121] {strides = array<i32>} : memref<128x128xf32, #tpu.memory_space<vmem>>, vector<16xf32>,
          %mul3A_123 = arith.mulf %get3A_119, %get3A_122 : vector<16xf32>
          %add3A_124 = arith.addf %mul3A_116, %mul3A_123 : vector<16xf32>
          %get3A_125 = arith.index_cast %add3A_110 : i32 to index
          %get3A_126 = arith.constant 32 : index
          %get3A_127 = tpu.vector_load %arg8[%get3A_125, %get3A_126] {strides = array<i32>} : memref<128x128xf32, #tpu.memory_space<vmem>>, vector<16xf32>,
          %get3A_128 = arith.index_cast %add3A_110 : i32 to index
          %get3A_129 = arith.constant 32 : index
          %get3A_130 = tpu.vector_load %arg9[%get3A_128, %get3A_129] {strides = array<i32>} : memref<128x128xf32, #tpu.memory_space<vmem>>, vector<16xf32>,
          %mul3A_131 = arith.mulf %get3A_127, %get3A_130 : vector<16xf32>
          %add3A_132 = arith.addf %add3A_124, %mul3A_131 : vector<16xf32>
          %get3A_133 = arith.index_cast %add3A_110 : i32 to index
          %get3A_134 = arith.constant 48 : index
          %get3A_135 = tpu.vector_load %arg8[%get3A_133, %get3A_134] {strides = array<i32>} : memref<128x128xf32, #tpu.memory_space<vmem>>, vector<16xf32>,
          %get3A_136 = arith.index_cast %add3A_110 : i32 to index
          %get3A_137 = arith.constant 48 : index
          %get3A_138 = tpu.vector_load %arg9[%get3A_136, %get3A_137] {strides = array<i32>} : memref<128x128xf32, #tpu.memory_space<vmem>>, vector<16xf32>,
          %mul3A_139 = arith.mulf %get3A_135, %get3A_138 : vector<16xf32>
          %add3A_140 = arith.addf %add3A_132, %mul3A_139 : vector<16xf32>
          %get3A_141 = arith.index_cast %add3A_110 : i32 to index
          %get3A_142 = arith.constant 64 : index
          %get3A_143 = tpu.vector_load %arg8[%get3A_141, %get3A_142] {strides = array<i32>} : memref<128x128xf32, #tpu.memory_space<vmem>>, vector<16xf32>,
          %get3A_144 = arith.index_cast %add3A_110 : i32 to index
          %get3A_145 = arith.constant 64 : index
          %get3A_146 = tpu.vector_load %arg9[%get3A_144, %get3A_145] {strides = array<i32>} : memref<128x128xf32, #tpu.memory_space<vmem>>, vector<16xf32>,
          %mul3A_147 = arith.mulf %get3A_143, %get3A_146 : vector<16xf32>
          %add3A_148 = arith.addf %add3A_140, %mul3A_147 : vector<16xf32>
          %get3A_149 = arith.index_cast %add3A_110 : i32 to index
          %get3A_150 = arith.constant 80 : index
          %get3A_151 = tpu.vector_load %arg8[%get3A_149, %get3A_150] {strides = array<i32>} : memref<128x128xf32, #tpu.memory_space<vmem>>, vector<16xf32>,
          %get3A_152 = arith.index_cast %add3A_110 : i32 to index
          %get3A_153 = arith.constant 80 : index
          %get3A_154 = tpu.vector_load %arg9[%get3A_152, %get3A_153] {strides = array<i32>} : memref<128x128xf32, #tpu.memory_space<vmem>>, vector<16xf32>,
          %mul3A_155 = arith.mulf %get3A_151, %get3A_154 : vector<16xf32>
          %add3A_156 = arith.addf %add3A_148, %mul3A_155 : vector<16xf32>
          %get3A_157 = arith.index_cast %add3A_110 : i32 to index
          %get3A_158 = arith.constant 96 : index
          %get3A_159 = tpu.vector_load %arg8[%get3A_157, %get3A_158] {strides = array<i32>} : memref<128x128xf32, #tpu.memory_space<vmem>>, vector<16xf32>,
          %get3A_160 = arith.index_cast %add3A_110 : i32 to index
          %get3A_161 = arith.constant 96 : index
          %get3A_162 = tpu.vector_load %arg9[%get3A_160, %get3A_161] {strides = array<i32>} : memref<128x128xf32, #tpu.memory_space<vmem>>, vector<16xf32>,
          %mul3A_163 = arith.mulf %get3A_159, %get3A_162 : vector<16xf32>
          %add3A_164 = arith.addf %add3A_156, %mul3A_163 : vector<16xf32>
          %get3A_165 = arith.index_cast %add3A_110 : i32 to index
          %get3A_166 = arith.constant 112 : index
          %get3A_167 = tpu.vector_load %arg8[%get3A_165, %get3A_166] {strides = array<i32>} : memref<128x128xf32, #tpu.memory_space<vmem>>, vector<16xf32>,
          %get3A_168 = arith.index_cast %add3A_110 : i32 to index
          %get3A_169 = arith.constant 112 : index
          %get3A_170 = tpu.vector_load %arg9[%get3A_168, %get3A_169] {strides = array<i32>} : memref<128x128xf32, #tpu.memory_space<vmem>>, vector<16xf32>,
          %mul3A_171 = arith.mulf %get3A_167, %get3A_170 : vector<16xf32>
          %add3A_172 = arith.addf %add3A_164, %mul3A_171 : vector<16xf32>
          %swap3A_173 = arith.index_cast %add3A_107 : i32 to index
          %swap3A_174 = arith.constant 0 : index
          %swap3A_175 = tpu.vector_load %arg11[%swap3A_173, %swap3A_174] {strides = array<i32>} : memref<16x16xf32, #tpu.memory_space<vmem>>, vector<16xf32>,
          tpu.vector_store %arg11[%swap3A_173, %swap3A_174], %add3A_172 {strides = array<i32>} : memref<16x16xf32, #tpu.memory_space<vmem>>, vector<16xf32>,
        }
        %scan3A_33 = arith.constant 16 : i32
        %iota3A = tpu.iota {dimensions = array<i32: 0>} : vector<16xi32>
        %broadcast_in_dim3A = arith.constant 0.000000e+00 : f32
        %broadcast_in_dim3A_34 = vector.broadcast %broadcast_in_dim3A : f32 to vector<16xf32>
        %broadcast_in_dim3A_35 = arith.constant 0 : i32
        %broadcast_in_dim3A_36 = vector.broadcast %broadcast_in_dim3A_35 : i32 to vector<16xi32>
        %gather3A = tpu.vector_load_idx %arg11[%iota3A, %broadcast_in_dim3A_36] : memref<16x16xf32, #tpu.memory_space<vmem>>[vector<16xi32>, vector<16xi32>], vector<16xf32>,
        %add3A_37 = arith.addf %broadcast_in_dim3A_34, %gather3A : vector<16xf32>
        %broadcast_in_dim3A_38 = arith.constant 1 : i32
        %broadcast_in_dim3A_39 = vector.broadcast %broadcast_in_dim3A_38 : i32 to vector<16xi32>
        %gather3A_40 = tpu.vector_load_idx %arg11[%iota3A, %broadcast_in_dim3A_39] : memref<16x16xf32, #tpu.memory_space<vmem>>[vector<16xi32>, vector<16xi32>], vector<16xf32>,
        %add3A_41 = arith.addf %add3A_37, %gather3A_40 : vector<16xf32>
        %broadcast_in_dim3A_42 = arith.constant 2 : i32
        %broadcast_in_dim3A_43 = vector.broadcast %broadcast_in_dim3A_42 : i32 to vector<16xi32>
        %gather3A_44 = tpu.vector_load_idx %arg11[%iota3A, %broadcast_in_dim3A_43] : memref<16x16xf32, #tpu.memory_space<vmem>>[vector<16xi32>, vector<16xi32>], vector<16xf32>,
        %add3A_45 = arith.addf %add3A_41, %gather3A_44 : vector<16xf32>
        %broadcast_in_dim3A_46 = arith.constant 3 : i32
        %broadcast_in_dim3A_47 = vector.broadcast %broadcast_in_dim3A_46 : i32 to vector<16xi32>
        %gather3A_48 = tpu.vector_load_idx %arg11[%iota3A, %broadcast_in_dim3A_47] : memref<16x16xf32, #tpu.memory_space<vmem>>[vector<16xi32>, vector<16xi32>], vector<16xf32>,
        %add3A_49 = arith.addf %add3A_45, %gather3A_48 : vector<16xf32>
        %broadcast_in_dim3A_50 = arith.constant 4 : i32
        %broadcast_in_dim3A_51 = vector.broadcast %broadcast_in_dim3A_50 : i32 to vector<16xi32>
        %gather3A_52 = tpu.vector_load_idx %arg11[%iota3A, %broadcast_in_dim3A_51] : memref<16x16xf32, #tpu.memory_space<vmem>>[vector<16xi32>, vector<16xi32>], vector<16xf32>,
        %add3A_53 = arith.addf %add3A_49, %gather3A_52 : vector<16xf32>
        %broadcast_in_dim3A_54 = arith.constant 5 : i32
        %broadcast_in_dim3A_55 = vector.broadcast %broadcast_in_dim3A_54 : i32 to vector<16xi32>
        %gather3A_56 = tpu.vector_load_idx %arg11[%iota3A, %broadcast_in_dim3A_55] : memref<16x16xf32, #tpu.memory_space<vmem>>[vector<16xi32>, vector<16xi32>], vector<16xf32>,
        %add3A_57 = arith.addf %add3A_53, %gather3A_56 : vector<16xf32>
        %broadcast_in_dim3A_58 = arith.constant 6 : i32
        %broadcast_in_dim3A_59 = vector.broadcast %broadcast_in_dim3A_58 : i32 to vector<16xi32>
        %gather3A_60 = tpu.vector_load_idx %arg11[%iota3A, %broadcast_in_dim3A_59] : memref<16x16xf32, #tpu.memory_space<vmem>>[vector<16xi32>, vector<16xi32>], vector<16xf32>,
        %add3A_61 = arith.addf %add3A_57, %gather3A_60 : vector<16xf32>
        %broadcast_in_dim3A_62 = arith.constant 7 : i32
        %broadcast_in_dim3A_63 = vector.broadcast %broadcast_in_dim3A_62 : i32 to vector<16xi32>
        %gather3A_64 = tpu.vector_load_idx %arg11[%iota3A, %broadcast_in_dim3A_63] : memref<16x16xf32, #tpu.memory_space<vmem>>[vector<16xi32>, vector<16xi32>], vector<16xf32>,
        %add3A_65 = arith.addf %add3A_61, %gather3A_64 : vector<16xf32>
        %broadcast_in_dim3A_66 = arith.constant 8 : i32
        %broadcast_in_dim3A_67 = vector.broadcast %broadcast_in_dim3A_66 : i32 to vector<16xi32>
        %gather3A_68 = tpu.vector_load_idx %arg11[%iota3A, %broadcast_in_dim3A_67] : memref<16x16xf32, #tpu.memory_space<vmem>>[vector<16xi32>, vector<16xi32>], vector<16xf32>,
        %add3A_69 = arith.addf %add3A_65, %gather3A_68 : vector<16xf32>
        %broadcast_in_dim3A_70 = arith.constant 9 : i32
        %broadcast_in_dim3A_71 = vector.broadcast %broadcast_in_dim3A_70 : i32 to vector<16xi32>
        %gather3A_72 = tpu.vector_load_idx %arg11[%iota3A, %broadcast_in_dim3A_71] : memref<16x16xf32, #tpu.memory_space<vmem>>[vector<16xi32>, vector<16xi32>], vector<16xf32>,
        %add3A_73 = arith.addf %add3A_69, %gather3A_72 : vector<16xf32>
        %broadcast_in_dim3A_74 = arith.constant 10 : i32
        %broadcast_in_dim3A_75 = vector.broadcast %broadcast_in_dim3A_74 : i32 to vector<16xi32>
        %gather3A_76 = tpu.vector_load_idx %arg11[%iota3A, %broadcast_in_dim3A_75] : memref<16x16xf32, #tpu.memory_space<vmem>>[vector<16xi32>, vector<16xi32>], vector<16xf32>,
        %add3A_77 = arith.addf %add3A_73, %gather3A_76 : vector<16xf32>
        %broadcast_in_dim3A_78 = arith.constant 11 : i32
        %broadcast_in_dim3A_79 = vector.broadcast %broadcast_in_dim3A_78 : i32 to vector<16xi32>
        %gather3A_80 = tpu.vector_load_idx %arg11[%iota3A, %broadcast_in_dim3A_79] : memref<16x16xf32, #tpu.memory_space<vmem>>[vector<16xi32>, vector<16xi32>], vector<16xf32>,
        %add3A_81 = arith.addf %add3A_77, %gather3A_80 : vector<16xf32>
        %broadcast_in_dim3A_82 = arith.constant 12 : i32
        %broadcast_in_dim3A_83 = vector.broadcast %broadcast_in_dim3A_82 : i32 to vector<16xi32>
        %gather3A_84 = tpu.vector_load_idx %arg11[%iota3A, %broadcast_in_dim3A_83] : memref<16x16xf32, #tpu.memory_space<vmem>>[vector<16xi32>, vector<16xi32>], vector<16xf32>,
        %add3A_85 = arith.addf %add3A_81, %gather3A_84 : vector<16xf32>
        %broadcast_in_dim3A_86 = arith.constant 13 : i32
        %broadcast_in_dim3A_87 = vector.broadcast %broadcast_in_dim3A_86 : i32 to vector<16xi32>
        %gather3A_88 = tpu.vector_load_idx %arg11[%iota3A, %broadcast_in_dim3A_87] : memref<16x16xf32, #tpu.memory_space<vmem>>[vector<16xi32>, vector<16xi32>], vector<16xf32>,
        %add3A_89 = arith.addf %add3A_85, %gather3A_88 : vector<16xf32>
        %broadcast_in_dim3A_90 = arith.constant 14 : i32
        %broadcast_in_dim3A_91 = vector.broadcast %broadcast_in_dim3A_90 : i32 to vector<16xi32>
        %gather3A_92 = tpu.vector_load_idx %arg11[%iota3A, %broadcast_in_dim3A_91] : memref<16x16xf32, #tpu.memory_space<vmem>>[vector<16xi32>, vector<16xi32>], vector<16xf32>,
        %add3A_93 = arith.addf %add3A_89, %gather3A_92 : vector<16xf32>
        %broadcast_in_dim3A_94 = arith.constant 15 : i32
        %broadcast_in_dim3A_95 = vector.broadcast %broadcast_in_dim3A_94 : i32 to vector<16xi32>
        %gather3A_96 = tpu.vector_load_idx %arg11[%iota3A, %broadcast_in_dim3A_95] : memref<16x16xf32, #tpu.memory_space<vmem>>[vector<16xi32>, vector<16xi32>], vector<16xf32>,
        %add3A_97 = arith.addf %add3A_93, %gather3A_96 : vector<16xf32>
        %mul3A_98 = arith.constant 16 : i32
        %mul3A_99 = arith.muli %add3A_28, %mul3A_98 : i32
        %swap3A = arith.constant 0 : i32
        %swap3A_100 = arith.index_cast %swap3A : i32 to index
        %swap3A_101 = arith.index_cast %mul3A_99 : i32 to index
        %swap3A_102 = tpu.vector_load %arg10[%swap3A_100, %swap3A_101] {strides = array<i32>} : memref<1x128xf32, #tpu.memory_space<vmem>>, vector<16xf32>,
        tpu.vector_store %arg10[%swap3A_100, %swap3A_101], %add3A_97 {strides = array<i32>} : memref<1x128xf32, #tpu.memory_space<vmem>>, vector<16xf32>,
      }
      %scan3A_22 = arith.constant 8 : i32
      %run_scoped3A_23 = arith.constant 0 : i32
      "tpu.region"() ({
        %run_scoped3A_24 = tpu.sem_alloc : memref<!tpu.dma_semaphore, #tpu.memory_space<semaphore_mem>>
        %dma_start3A = arith.constant 0 : i32
        %dma_start3A_25 = tpu.memref_slice %arg10[%run_scoped3A_23, %dma_start3A] : memref<1x128xf32, #tpu.memory_space<vmem>> -> memref<1x128xf32, #tpu.memory_space<vmem>>
        %dma_start3A_26 = tpu.memref_squeeze %dma_start3A_25 : memref<1x128xf32, #tpu.memory_space<vmem>> -> memref<128xf32, #tpu.memory_space<vmem>>
        %dma_start3A_27 = tpu.memref_slice %arg5[%mul3A_14] : memref<102400xf32, #tpu.memory_space<hbm>> -> memref<128xf32, #tpu.memory_space<hbm>>
        %dma_start3A_28 = tpu.memref_slice %arg5[%mul3A_14] : memref<102400xf32, #tpu.memory_space<hbm>> -> memref<128xf32, #tpu.memory_space<hbm>>
        %dma_start3A_29 = arith.constant 0 : i32
        %dma_start3A_30 = tpu.memref_slice %arg10[%run_scoped3A_23, %dma_start3A_29] : memref<1x128xf32, #tpu.memory_space<vmem>> -> memref<1x128xf32, #tpu.memory_space<vmem>>
        %dma_start3A_31 = tpu.memref_squeeze %dma_start3A_30 : memref<1x128xf32, #tpu.memory_space<vmem>> -> memref<128xf32, #tpu.memory_space<vmem>>
        tpu.enqueue_dma source(%dma_start3A_31 : memref<128xf32, #tpu.memory_space<vmem>>) target(%dma_start3A_28 : memref<128xf32, #tpu.memory_space<hbm>>) target_semaphore(%run_scoped3A_24 : memref<!tpu.dma_semaphore, #tpu.memory_space<semaphore_mem>>)
        %dma_wait3A = arith.constant 0 : i32
        %dma_wait3A_32 = tpu.memref_slice %arg10[%run_scoped3A_23, %dma_wait3A] : memref<1x128xf32, #tpu.memory_space<vmem>> -> memref<1x128xf32, #tpu.memory_space<vmem>>
        %dma_wait3A_33 = tpu.memref_squeeze %dma_wait3A_32 : memref<1x128xf32, #tpu.memory_space<vmem>> -> memref<128xf32, #tpu.memory_space<vmem>>
        %dma_wait3A_34 = tpu.memref_slice %arg5[%mul3A_14] : memref<102400xf32, #tpu.memory_space<hbm>> -> memref<128xf32, #tpu.memory_space<hbm>>
        %dma_wait3A_35 = tpu.memref_slice %arg5[%mul3A_14] : memref<102400xf32, #tpu.memory_space<hbm>> -> memref<128xf32, #tpu.memory_space<hbm>>
        %dma_wait3A_36 = arith.constant 0 : i32
        %dma_wait3A_37 = tpu.memref_slice %arg10[%run_scoped3A_23, %dma_wait3A_36] : memref<1x128xf32, #tpu.memory_space<vmem>> -> memref<1x128xf32, #tpu.memory_space<vmem>>
        %dma_wait3A_38 = tpu.memref_squeeze %dma_wait3A_37 : memref<1x128xf32, #tpu.memory_space<vmem>> -> memref<128xf32, #tpu.memory_space<vmem>>
        tpu.wait_dma2 semaphore(%run_scoped3A_24 : memref<!tpu.dma_semaphore, #tpu.memory_space<semaphore_mem>>) src(%dma_wait3A_38 : memref<128xf32, #tpu.memory_space<vmem>>) dst(%dma_wait3A_35 : memref<128xf32, #tpu.memory_space<hbm>>)
        tpu.yield
      }) : () -> ()
    }
    %scan3A_6 = arith.constant 25 : i32
    return
  }
}

module attributes {stable_mosaic.version = 14 : i64} {
  func.func @_enc_body(%arg0: i32, %arg1: memref<1000x384xf32, #tpu.memory_space<vmem>>, %arg2: memref<384x128xf32, #tpu.memory_space<vmem>>, %arg3: memref<1x128xf32, #tpu.memory_space<vmem>>, %arg4: memref<1000x128xf32, #tpu.memory_space<vmem>>, %arg5: memref<1000x128xf32, #tpu.memory_space<vmem>>) attributes {dimension_semantics = [#tpu.dimension_semantics<arbitrary>], iteration_bounds = array<i64: 10>, scalar_prefetch = 0 : i64, scratch_operands = 0 : i64, tpu.core_type = #tpu.core_type<tc>, window_params = [{transform_indices = @transform_0, window_bounds = array<i64: 1000, 384>}, {pipeline_mode = #tpu.pipeline_mode<synchronous>, transform_indices = @transform_1, window_bounds = array<i64: 384, 128>}, {pipeline_mode = #tpu.pipeline_mode<synchronous>, transform_indices = @transform_2, window_bounds = array<i64: 1, 128>}, {transform_indices = @transform_3, window_bounds = array<i64: 1000, 128>}, {transform_indices = @transform_4, window_bounds = array<i64: 1000, 128>}]} {
    %get3A = arith.constant 0 : index
    %get3A_0 = arith.constant 0 : index
    %get3A_1 = vector.load %arg1[%get3A, %get3A_0] : memref<1000x384xf32, #tpu.memory_space<vmem>>, vector<1000x384xf32>
    %get3A_2 = arith.constant 0 : index
    %get3A_3 = arith.constant 0 : index
    %get3A_4 = vector.load %arg2[%get3A_2, %get3A_3] : memref<384x128xf32, #tpu.memory_space<vmem>>, vector<384x128xf32>
    %dot_general3A = arith.constant dense<0.000000e+00> : vector<1000x128xf32>
    %dot_general3A_5 = tpu.matmul %get3A_1, %get3A_4, %dot_general3A {dimension_numbers = #tpu.dot_dimension_numbers<[1], [0], [0], [1], [0, 0, 1, 1], [], []>, precision = #tpu.contract_precision<fp32>, transpose_lhs_hint = false} : vector<1000x384xf32>, vector<384x128xf32>, vector<1000x128xf32> -> vector<1000x128xf32>
    %get3A_6 = arith.constant 0 : index
    %get3A_7 = arith.constant 0 : index
    %get3A_8 = vector.load %arg3[%get3A_6, %get3A_7] : memref<1x128xf32, #tpu.memory_space<vmem>>, vector<1x128xf32>
    %add3A = vector.broadcast %get3A_8 : vector<1x128xf32> to vector<1000x128xf32>
    %add3A_9 = arith.addf %dot_general3A_5, %add3A : vector<1000x128xf32>
    %get3A_10 = arith.constant 0 : index
    %get3A_11 = arith.constant 0 : index
    %get3A_12 = vector.load %arg4[%get3A_10, %get3A_11] : memref<1000x128xf32, #tpu.memory_space<vmem>>, vector<1000x128xf32>
    %add3A_13 = arith.addf %add3A_9, %get3A_12 : vector<1000x128xf32>
    %swap3A = arith.constant 0 : index
    %swap3A_14 = arith.constant 0 : index
    %swap3A_15 = vector.load %arg5[%swap3A, %swap3A_14] : memref<1000x128xf32, #tpu.memory_space<vmem>>, vector<1000x128xf32>
    tpu.vector_store %arg5[%swap3A, %swap3A_14], %add3A_13 {strides = array<i32>} : memref<1000x128xf32, #tpu.memory_space<vmem>>, vector<1000x128xf32>,
    return
  }
  func.func @transform_0(%arg0: i32) -> (i32, i32) {
    %c0_i32 = arith.constant 0 : i32
    %c0_i32_0 = arith.constant 0 : i32
    return %arg0, %c0_i32 : i32, i32
  }
  func.func @transform_1(%arg0: i32) -> (i32, i32) {
    %c0_i32 = arith.constant 0 : i32
    %c0_i32_0 = arith.constant 0 : i32
    %c0_i32_1 = arith.constant 0 : i32
    return %c0_i32, %c0_i32_0 : i32, i32
  }
  func.func @transform_2(%arg0: i32) -> (i32, i32) {
    %c0_i32 = arith.constant 0 : i32
    %c0_i32_0 = arith.constant 0 : i32
    %c0_i32_1 = arith.constant 0 : i32
    return %c0_i32, %c0_i32_0 : i32, i32
  }
  func.func @transform_3(%arg0: i32) -> (i32, i32) {
    %c0_i32 = arith.constant 0 : i32
    %c0_i32_0 = arith.constant 0 : i32
    return %arg0, %c0_i32 : i32, i32
  }
  func.func @transform_4(%arg0: i32) -> (i32, i32) {
    %c0_i32 = arith.constant 0 : i32
    %c0_i32_0 = arith.constant 0 : i32
    return %arg0, %c0_i32 : i32, i32
  }
}

module attributes {stable_mosaic.version = 14 : i64} {
  func.func @_layer_body(%arg0: i32, %arg1: i32, %arg2: memref<1x1000x128xf32, #tpu.memory_space<vmem>>, %arg3: memref<1x1000x128xf32, #tpu.memory_space<vmem>>, %arg4: memref<1000x128xf32, #tpu.memory_space<vmem>>, %arg5: memref<1x128x128xf32, #tpu.memory_space<vmem>>, %arg6: memref<1x128x128xf32, #tpu.memory_space<vmem>>, %arg7: memref<1x1x128xf32, #tpu.memory_space<vmem>>, %arg8: memref<1000x128xf32, #tpu.memory_space<vmem>>) attributes {dimension_semantics = [#tpu.dimension_semantics<arbitrary>, #tpu.dimension_semantics<arbitrary>], iteration_bounds = array<i64: 2, 10>, scalar_prefetch = 0 : i64, scratch_operands = 0 : i64, tpu.core_type = #tpu.core_type<tc>, window_params = [{transform_indices = @transform_0, window_bounds = array<i64: 1, 1000, 128>}, {transform_indices = @transform_1, window_bounds = array<i64: 1, 1000, 128>}, {transform_indices = @transform_2, window_bounds = array<i64: 1000, 128>}, {transform_indices = @transform_3, window_bounds = array<i64: 1, 128, 128>}, {transform_indices = @transform_4, window_bounds = array<i64: 1, 128, 128>}, {transform_indices = @transform_5, window_bounds = array<i64: 1, 1, 128>}, {transform_indices = @transform_6, window_bounds = array<i64: 1000, 128>}]} {
    %get3A = arith.constant 0 : index
    %get3A_0 = arith.constant 0 : index
    %get3A_1 = arith.constant 0 : index
    %get3A_2 = vector.load %arg3[%get3A, %get3A_0, %get3A_1] : memref<1x1000x128xf32, #tpu.memory_space<vmem>>, vector<1x1000x128xf32>
    %get3A_3 = vector.shape_cast %get3A_2 : vector<1x1000x128xf32> to vector<1000x128xf32>
    %slice3A = vector.extract_strided_slice %get3A_3 {offsets = [0, 0], sizes = [1000, 1], strides = [1, 1]} : vector<1000x128xf32> to vector<1000x1xf32>
    %get3A_4 = arith.constant 0 : index
    %get3A_5 = arith.constant 0 : index
    %get3A_6 = arith.constant 0 : index
    %get3A_7 = vector.load %arg2[%get3A_4, %get3A_5, %get3A_6] : memref<1x1000x128xf32, #tpu.memory_space<vmem>>, vector<1x1000x128xf32>
    %get3A_8 = vector.shape_cast %get3A_7 : vector<1x1000x128xf32> to vector<1000x128xf32>
    %max3A = arith.constant 1.000000e+00 : f32
    %max3A_9 = vector.broadcast %max3A : f32 to vector<1000x1xf32>
    %max3A_10 = arith.maximumf %slice3A, %max3A_9 : vector<1000x1xf32>
    %div3A = arith.constant 1.000000e+00 : f32
    %div3A_11 = vector.broadcast %div3A : f32 to vector<1000x1xf32>
    %div3A_12 = arith.divf %div3A_11, %max3A_10 : vector<1000x1xf32>
    %mul3A = vector.broadcast %div3A_12 : vector<1000x1xf32> to vector<1000x128xf32>
    %mul3A_13 = arith.mulf %get3A_8, %mul3A : vector<1000x128xf32>
    %get3A_14 = arith.constant 0 : index
    %get3A_15 = arith.constant 0 : index
    %get3A_16 = arith.constant 0 : index
    %get3A_17 = vector.load %arg5[%get3A_14, %get3A_15, %get3A_16] : memref<1x128x128xf32, #tpu.memory_space<vmem>>, vector<1x128x128xf32>
    %get3A_18 = vector.shape_cast %get3A_17 : vector<1x128x128xf32> to vector<128x128xf32>
    %dot_general3A = arith.constant dense<0.000000e+00> : vector<1000x128xf32>
    %dot_general3A_19 = tpu.matmul %mul3A_13, %get3A_18, %dot_general3A {dimension_numbers = #tpu.dot_dimension_numbers<[1], [0], [0], [1], [0, 0, 1, 1], [], []>, precision = #tpu.contract_precision<fp32>, transpose_lhs_hint = false} : vector<1000x128xf32>, vector<128x128xf32>, vector<1000x128xf32> -> vector<1000x128xf32>
    %get3A_20 = arith.constant 0 : index
    %get3A_21 = arith.constant 0 : index
    %get3A_22 = vector.load %arg4[%get3A_20, %get3A_21] : memref<1000x128xf32, #tpu.memory_space<vmem>>, vector<1000x128xf32>
    %get3A_23 = arith.constant 0 : index
    %get3A_24 = arith.constant 0 : index
    %get3A_25 = arith.constant 0 : index
    %get3A_26 = vector.load %arg6[%get3A_23, %get3A_24, %get3A_25] : memref<1x128x128xf32, #tpu.memory_space<vmem>>, vector<1x128x128xf32>
    %get3A_27 = vector.shape_cast %get3A_26 : vector<1x128x128xf32> to vector<128x128xf32>
    %dot_general3A_28 = arith.constant dense<0.000000e+00> : vector<1000x128xf32>
    %dot_general3A_29 = tpu.matmul %get3A_22, %get3A_27, %dot_general3A_28 {dimension_numbers = #tpu.dot_dimension_numbers<[1], [0], [0], [1], [0, 0, 1, 1], [], []>, precision = #tpu.contract_precision<fp32>, transpose_lhs_hint = false} : vector<1000x128xf32>, vector<128x128xf32>, vector<1000x128xf32> -> vector<1000x128xf32>
    %add3A = arith.addf %dot_general3A_19, %dot_general3A_29 : vector<1000x128xf32>
    %get3A_30 = arith.constant 0 : index
    %get3A_31 = arith.constant 0 : index
    %get3A_32 = arith.constant 0 : index
    %get3A_33 = vector.load %arg7[%get3A_30, %get3A_31, %get3A_32] : memref<1x1x128xf32, #tpu.memory_space<vmem>>, vector<1x1x128xf32>
    %get3A_34 = vector.shape_cast %get3A_33 : vector<1x1x128xf32> to vector<1x128xf32>
    %add3A_35 = vector.broadcast %get3A_34 : vector<1x128xf32> to vector<1000x128xf32>
    %add3A_36 = arith.addf %add3A, %add3A_35 : vector<1000x128xf32>
    %max3A_37 = arith.constant 0.000000e+00 : f32
    %max3A_38 = vector.broadcast %max3A_37 : f32 to vector<1000x128xf32>
    %max3A_39 = arith.maximumf %add3A_36, %max3A_38 : vector<1000x128xf32>
    %swap3A = arith.constant 0 : index
    %swap3A_40 = arith.constant 0 : index
    %swap3A_41 = vector.load %arg8[%swap3A, %swap3A_40] : memref<1000x128xf32, #tpu.memory_space<vmem>>, vector<1000x128xf32>
    tpu.vector_store %arg8[%swap3A, %swap3A_40], %max3A_39 {strides = array<i32>} : memref<1000x128xf32, #tpu.memory_space<vmem>>, vector<1000x128xf32>,
    return
  }
  func.func @transform_0(%arg0: i32, %arg1: i32) -> (i32, i32, i32) {
    %c0_i32 = arith.constant 0 : i32
    %c0_i32_0 = arith.constant 0 : i32
    return %arg0, %arg1, %c0_i32 : i32, i32, i32
  }
  func.func @transform_1(%arg0: i32, %arg1: i32) -> (i32, i32, i32) {
    %c0_i32 = arith.constant 0 : i32
    %c0_i32_0 = arith.constant 0 : i32
    return %arg0, %arg1, %c0_i32 : i32, i32, i32
  }
  func.func @transform_2(%arg0: i32, %arg1: i32) -> (i32, i32) {
    %mul3A = arith.constant 10 : i32
    %mul3A_0 = arith.muli %arg0, %mul3A : i32
    %add3A = arith.addi %mul3A_0, %arg1 : i32
    %c0_i32 = arith.constant 0 : i32
    %c0_i32_1 = arith.constant 0 : i32
    return %add3A, %c0_i32 : i32, i32
  }
  func.func @transform_3(%arg0: i32, %arg1: i32) -> (i32, i32, i32) {
    %c0_i32 = arith.constant 0 : i32
    %c0_i32_0 = arith.constant 0 : i32
    %c0_i32_1 = arith.constant 0 : i32
    return %arg0, %c0_i32, %c0_i32_0 : i32, i32, i32
  }
  func.func @transform_4(%arg0: i32, %arg1: i32) -> (i32, i32, i32) {
    %c0_i32 = arith.constant 0 : i32
    %c0_i32_0 = arith.constant 0 : i32
    %c0_i32_1 = arith.constant 0 : i32
    return %arg0, %c0_i32, %c0_i32_0 : i32, i32, i32
  }
  func.func @transform_5(%arg0: i32, %arg1: i32) -> (i32, i32, i32) {
    %c0_i32 = arith.constant 0 : i32
    %c0_i32_0 = arith.constant 0 : i32
    %c0_i32_1 = arith.constant 0 : i32
    return %arg0, %c0_i32, %c0_i32_0 : i32, i32, i32
  }
  func.func @transform_6(%arg0: i32, %arg1: i32) -> (i32, i32) {
    %mul3A = arith.constant 10 : i32
    %mul3A_0 = arith.muli %arg0, %mul3A : i32
    %add3A = arith.addi %mul3A_0, %arg1 : i32
    %c0_i32 = arith.constant 0 : i32
    %c0_i32_1 = arith.constant 0 : i32
    return %add3A, %c0_i32 : i32, i32
  }
}

module attributes {stable_mosaic.version = 14 : i64} {
  func.func @_layer_body(%arg0: i32, %arg1: i32, %arg2: memref<1x1000x128xf32, #tpu.memory_space<vmem>>, %arg3: memref<1x1000x128xf32, #tpu.memory_space<vmem>>, %arg4: memref<1000x128xf32, #tpu.memory_space<vmem>>, %arg5: memref<1x128x128xf32, #tpu.memory_space<vmem>>, %arg6: memref<1x128x128xf32, #tpu.memory_space<vmem>>, %arg7: memref<1x1x128xf32, #tpu.memory_space<vmem>>, %arg8: memref<1000x128xf32, #tpu.memory_space<vmem>>) attributes {dimension_semantics = [#tpu.dimension_semantics<arbitrary>, #tpu.dimension_semantics<arbitrary>], iteration_bounds = array<i64: 2, 10>, scalar_prefetch = 0 : i64, scratch_operands = 0 : i64, tpu.core_type = #tpu.core_type<tc>, window_params = [{transform_indices = @transform_0, window_bounds = array<i64: 1, 1000, 128>}, {transform_indices = @transform_1, window_bounds = array<i64: 1, 1000, 128>}, {transform_indices = @transform_2, window_bounds = array<i64: 1000, 128>}, {transform_indices = @transform_3, window_bounds = array<i64: 1, 128, 128>}, {transform_indices = @transform_4, window_bounds = array<i64: 1, 128, 128>}, {transform_indices = @transform_5, window_bounds = array<i64: 1, 1, 128>}, {transform_indices = @transform_6, window_bounds = array<i64: 1000, 128>}]} {
    %get3A = arith.constant 0 : index
    %get3A_0 = arith.constant 0 : index
    %get3A_1 = arith.constant 0 : index
    %get3A_2 = vector.load %arg3[%get3A, %get3A_0, %get3A_1] : memref<1x1000x128xf32, #tpu.memory_space<vmem>>, vector<1x1000x128xf32>
    %get3A_3 = vector.shape_cast %get3A_2 : vector<1x1000x128xf32> to vector<1000x128xf32>
    %slice3A = vector.extract_strided_slice %get3A_3 {offsets = [0, 0], sizes = [1000, 1], strides = [1, 1]} : vector<1000x128xf32> to vector<1000x1xf32>
    %get3A_4 = arith.constant 0 : index
    %get3A_5 = arith.constant 0 : index
    %get3A_6 = arith.constant 0 : index
    %get3A_7 = vector.load %arg2[%get3A_4, %get3A_5, %get3A_6] : memref<1x1000x128xf32, #tpu.memory_space<vmem>>, vector<1x1000x128xf32>
    %get3A_8 = vector.shape_cast %get3A_7 : vector<1x1000x128xf32> to vector<1000x128xf32>
    %max3A = arith.constant 1.000000e+00 : f32
    %max3A_9 = vector.broadcast %max3A : f32 to vector<1000x1xf32>
    %max3A_10 = arith.maximumf %slice3A, %max3A_9 : vector<1000x1xf32>
    %div3A = arith.constant 1.000000e+00 : f32
    %div3A_11 = vector.broadcast %div3A : f32 to vector<1000x1xf32>
    %div3A_12 = arith.divf %div3A_11, %max3A_10 : vector<1000x1xf32>
    %mul3A = vector.broadcast %div3A_12 : vector<1000x1xf32> to vector<1000x128xf32>
    %mul3A_13 = arith.mulf %get3A_8, %mul3A : vector<1000x128xf32>
    %get3A_14 = arith.constant 0 : index
    %get3A_15 = arith.constant 0 : index
    %get3A_16 = arith.constant 0 : index
    %get3A_17 = vector.load %arg5[%get3A_14, %get3A_15, %get3A_16] : memref<1x128x128xf32, #tpu.memory_space<vmem>>, vector<1x128x128xf32>
    %get3A_18 = vector.shape_cast %get3A_17 : vector<1x128x128xf32> to vector<128x128xf32>
    %dot_general3A = arith.constant dense<0.000000e+00> : vector<1000x128xf32>
    %dot_general3A_19 = tpu.matmul %mul3A_13, %get3A_18, %dot_general3A {dimension_numbers = #tpu.dot_dimension_numbers<[1], [0], [0], [1], [0, 0, 1, 1], [], []>, precision = #tpu.contract_precision<fp32>, transpose_lhs_hint = false} : vector<1000x128xf32>, vector<128x128xf32>, vector<1000x128xf32> -> vector<1000x128xf32>
    %get3A_20 = arith.constant 0 : index
    %get3A_21 = arith.constant 0 : index
    %get3A_22 = vector.load %arg4[%get3A_20, %get3A_21] : memref<1000x128xf32, #tpu.memory_space<vmem>>, vector<1000x128xf32>
    %get3A_23 = arith.constant 0 : index
    %get3A_24 = arith.constant 0 : index
    %get3A_25 = arith.constant 0 : index
    %get3A_26 = vector.load %arg6[%get3A_23, %get3A_24, %get3A_25] : memref<1x128x128xf32, #tpu.memory_space<vmem>>, vector<1x128x128xf32>
    %get3A_27 = vector.shape_cast %get3A_26 : vector<1x128x128xf32> to vector<128x128xf32>
    %dot_general3A_28 = arith.constant dense<0.000000e+00> : vector<1000x128xf32>
    %dot_general3A_29 = tpu.matmul %get3A_22, %get3A_27, %dot_general3A_28 {dimension_numbers = #tpu.dot_dimension_numbers<[1], [0], [0], [1], [0, 0, 1, 1], [], []>, precision = #tpu.contract_precision<fp32>, transpose_lhs_hint = false} : vector<1000x128xf32>, vector<128x128xf32>, vector<1000x128xf32> -> vector<1000x128xf32>
    %add3A = arith.addf %dot_general3A_19, %dot_general3A_29 : vector<1000x128xf32>
    %get3A_30 = arith.constant 0 : index
    %get3A_31 = arith.constant 0 : index
    %get3A_32 = arith.constant 0 : index
    %get3A_33 = vector.load %arg7[%get3A_30, %get3A_31, %get3A_32] : memref<1x1x128xf32, #tpu.memory_space<vmem>>, vector<1x1x128xf32>
    %get3A_34 = vector.shape_cast %get3A_33 : vector<1x1x128xf32> to vector<1x128xf32>
    %add3A_35 = vector.broadcast %get3A_34 : vector<1x128xf32> to vector<1000x128xf32>
    %add3A_36 = arith.addf %add3A, %add3A_35 : vector<1000x128xf32>
    %swap3A = arith.constant 0 : index
    %swap3A_37 = arith.constant 0 : index
    %swap3A_38 = vector.load %arg8[%swap3A, %swap3A_37] : memref<1000x128xf32, #tpu.memory_space<vmem>>, vector<1000x128xf32>
    tpu.vector_store %arg8[%swap3A, %swap3A_37], %add3A_36 {strides = array<i32>} : memref<1000x128xf32, #tpu.memory_space<vmem>>, vector<1000x128xf32>,
    return
  }
  func.func @transform_0(%arg0: i32, %arg1: i32) -> (i32, i32, i32) {
    %c0_i32 = arith.constant 0 : i32
    %c0_i32_0 = arith.constant 0 : i32
    return %arg0, %arg1, %c0_i32 : i32, i32, i32
  }
  func.func @transform_1(%arg0: i32, %arg1: i32) -> (i32, i32, i32) {
    %c0_i32 = arith.constant 0 : i32
    %c0_i32_0 = arith.constant 0 : i32
    return %arg0, %arg1, %c0_i32 : i32, i32, i32
  }
  func.func @transform_2(%arg0: i32, %arg1: i32) -> (i32, i32) {
    %mul3A = arith.constant 10 : i32
    %mul3A_0 = arith.muli %arg0, %mul3A : i32
    %add3A = arith.addi %mul3A_0, %arg1 : i32
    %c0_i32 = arith.constant 0 : i32
    %c0_i32_1 = arith.constant 0 : i32
    return %add3A, %c0_i32 : i32, i32
  }
  func.func @transform_3(%arg0: i32, %arg1: i32) -> (i32, i32, i32) {
    %c0_i32 = arith.constant 0 : i32
    %c0_i32_0 = arith.constant 0 : i32
    %c0_i32_1 = arith.constant 0 : i32
    return %arg0, %c0_i32, %c0_i32_0 : i32, i32, i32
  }
  func.func @transform_4(%arg0: i32, %arg1: i32) -> (i32, i32, i32) {
    %c0_i32 = arith.constant 0 : i32
    %c0_i32_0 = arith.constant 0 : i32
    %c0_i32_1 = arith.constant 0 : i32
    return %arg0, %c0_i32, %c0_i32_0 : i32, i32, i32
  }
  func.func @transform_5(%arg0: i32, %arg1: i32) -> (i32, i32, i32) {
    %c0_i32 = arith.constant 0 : i32
    %c0_i32_0 = arith.constant 0 : i32
    %c0_i32_1 = arith.constant 0 : i32
    return %arg0, %c0_i32, %c0_i32_0 : i32, i32, i32
  }
  func.func @transform_6(%arg0: i32, %arg1: i32) -> (i32, i32) {
    %mul3A = arith.constant 10 : i32
    %mul3A_0 = arith.muli %arg0, %mul3A : i32
    %add3A = arith.addi %mul3A_0, %arg1 : i32
    %c0_i32 = arith.constant 0 : i32
    %c0_i32_1 = arith.constant 0 : i32
    return %add3A, %c0_i32 : i32, i32
  }
}

</mosaic_0001>

<sc_bundles>
// kernel: kernel.12.cloned.1.call-start
scs
__scs_entry_jumppad:
0x0: {  	(pc) =	sbr.rel $0x88, $3  }
0x1: {  	(tag) =	ssettag $0x0;
	lr =	simm.s32 $0x1  }
0x2: {  	[smem:$0x3F85] =	sst lr;
	_ =	strace $0xD0000000  }
0x3: {  	_ = 	snop  }
0x4: {  	_ = 	snop  }
0x5: {  	_ = 	snop  }
0x6: {  	_ = 	snop  }
0x7: {  	_ = 	snop  }
__scs_overlays_trampoline_lowered:
0x8: {  	[smem:$0x3F94] =	sst s0  }
0x9: {  	[smem:$0x3F95] =	sst s1  }
0xa: {  	[smem:$0x3F96] =	sst s2  }
0xb: {  	[smem:$0x3F97] =	sst s3  }
0xc: {  	[smem:$0x3F98] =	sst s4  }
0xd: {  	[smem:$0x3F99] =	sst s5  }
0xe: {  	[smem:$0x3F9A] =	sst s6  }
0xf: {  	[smem:$0x3F9B] =	sst s7  }
0x10: {  	[smem:$0x3F9C] =	sst s8  }
0x11: {  	[smem:$0x3F9D] =	sst s9;
	s0 =	simm.s32 @!p0 $0x0  }
0x12: {  	s1 =	sld [smem:$0x3F83];
	s0 =	simm.s32 @p0 $0x1  }
0x13: {  	[smem:$0x3F9E] =	sst s0;
	s0 =	simm.s32 @!p1 $0x0  }
0x14: {  	s2 =	sld [smem:$0x3F82];
	s0 =	simm.s32 @p1 $0x1  }
0x15: {  	[smem:$0x3F9F] =	sst s0;
	s0 =	simm.s32 @!p2 $0x0  }
0x16: {  	s3 =	sld [smem:$0x3FDB];
	s0 =	simm.s32 @p2 $0x1  }
0x17: {  	s4 =	simm.s32 $0x1BF5;
	[smem:$0x3FA1] =	sst s0  }
0x18: {  	s0 =	sld [smem:$0x3F84];
	_ =	swait.ge [sflag:s4], $0x0  }
0x19: {  	s7 =	sld [smem:$0x3F85]  }
0x1a: {  	s8 =	sadd.s32 $0xFFFFE003, lr  }
0x1b: {  	s9 =	sadd.s32 $0xFFFFFEF7, lr;
	s5 =	simm.s32 $0xFFFFFFFF;
	p2 =	slt.u32 s8, $0xFFFFF086  }
0x1c: {  	p1 =	slt.u32 s9, $0xF7A;
	s5 =	simm.s32 @!p2 $0x0  }
0x1d: {  	s5 =	simm.s32 @p1 $0x1;
	p0 =	seq.s32 s7, s2  }
0x1e: {  	s7 =	smul.u32 @!p0 $0xF7A, s2;
	p2 =	seq.s32 @!p0 s5, $0x0  }
0x1f: {  	s9 =	smul.u32 $0xF7A, s1;
	s8 =	simm.s32 @!p0 $0x1BF5;
	p2 =	por !p2, p0  }
0x20: {  	[sflag:s8] =	ssyncset.s32 @!p0 $0xFFFFF086;
	s6 =	sadd.s32 @!p0 s3, s7;
	s7 =	simm.s32 @!p0 $0x108  }
0x21: {  	s3 =	sadd.s32 s3, s9;
	s6 =	sadd.s32 @!p0 $0x88, s6;
	s7 =	simm.s32 @p2 $0x1082  }
0x22: {  	[simem:s7], [sflag:s8] =	dma.local @!p0 [hbm:s6], $0xF7A  }
0x23: {  	s9 =	sor.u32 $0xD0000000, s2;
	s6 =	simm.s32 $0x108;
	_ =	swait.ge @!p0 [sflag:s8], $0x0  }
0x24: {  	s3 =	sadd.s32 $0x88, s3;
	s6 =	simm.s32 @!p1 $0x1082;
	[sflag:s4] =	ssyncset.s32 $0xFFFFF086  }
0x25: {  	[simem:s6], [sflag:s4] =	dma.local [hbm:s3], $0xF7A  }
0x26: {  	[smem:$0x3F85] =	sst s1;
	(tag) =	ssettag s2;
	_ =	strace s9  }
0x27: {  	s1 =	sld [smem:$0x3F95]  }
0x28: {  	s2 =	sld [smem:$0x3F96]  }
0x29: {  	s4 =	sld [smem:$0x3F98]  }
0x2a: {  	p0 =	seq.s32 s5, $0x0;
	s5 =	sld [smem:$0x3F99]  }
0x2b: {  	s6 =	sld [smem:$0x3F9A]  }
0x2c: {  	s7 =	sld [smem:$0x3F9B]  }
0x2d: {  	s3 =	simm.s32 $0x108;
	s8 =	sld [smem:$0x3F9C]  }
0x2e: {  	s3 =	simm.s32 @!p0 $0x1082;
	s9 =	sld [smem:$0x3F9D]  }
0x2f: {  	lr =	sadd.s32 s0, s3;
	s0 =	sld [smem:$0x3F94]  }
0x30: {  	s3 =	sld [smem:$0x3F97]  }
0x31: {  	[smem:$0x3FA0] =	sst s10  }
0x32: {  	s10 =	sld [smem:$0x3F9E];
	_ =	sdelay $0x3  }
0x33: {  	p0 =	seq.s32 s10, $0x1;
	s10 =	sld [smem:$0x3FA0];
	_ =	sdelay $0x3  }
0x34: {  	[smem:$0x3FA0] =	sst s10  }
0x35: {  	s10 =	sld [smem:$0x3F9F];
	_ =	sdelay $0x3  }
0x36: {  	p1 =	seq.s32 s10, $0x1;
	s10 =	sld [smem:$0x3FA0];
	_ =	sdelay $0x3  }
0x37: {  	[smem:$0x3FA0] =	sst s10  }
0x38: {  	s10 =	sld [smem:$0x3FA1]  }
0x39: {  	_ = 	snop;
	(pc) =	sbr.ind lr, $3  }
0x3a: {  	_ = 	snop  }
0x3b: {  	_ = 	snop  }
0x3c: {  	p2 =	seq.s32 s10, $0x1;
	s10 =	sld [smem:$0x3FA0]  }
0x3d: {  	_ =	shalt  }
0x3e: {  	_ =	shalt  }
0x3f: {  	_ =	shalt  }
0x40: {  	_ =	shalt  }
0x41: {  	_ =	shalt  }
0x42: {  	_ =	shalt  }
0x43: {  	_ =	shalt  }
0x44: {  	_ =	shalt  }
0x45: {  	_ =	shalt  }
0x46: {  	_ =	shalt  }
0x47: {  	_ =	shalt  }
0x48: {  	_ =	shalt  }
0x49: {  	_ =	shalt  }
0x4a: {  	_ =	shalt  }
0x4b: {  	_ =	shalt  }
0x4c: {  	_ =	shalt  }
0x4d: {  	_ =	shalt  }
0x4e: {  	_ =	shalt  }
0x4f: {  	_ =	shalt  }
0x50: {  	_ =	shalt  }
0x51: {  	_ =	shalt  }
0x52: {  	_ =	shalt  }
0x53: {  	_ =	shalt  }
0x54: {  	_ =	shalt  }
0x55: {  	_ =	shalt  }
0x56: {  	_ =	shalt  }
0x57: {  	_ =	shalt  }
0x58: {  	_ =	shalt  }
0x59: {  	_ =	shalt  }
0x5a: {  	_ =	shalt  }
0x5b: {  	_ =	shalt  }
0x5c: {  	_ =	shalt  }
0x5d: {  	_ =	shalt  }
0x5e: {  	_ =	shalt  }
0x5f: {  	_ =	shalt  }
0x60: {  	_ =	shalt  }
0x61: {  	_ =	shalt  }
0x62: {  	_ =	shalt  }
0x63: {  	_ =	shalt  }
0x64: {  	_ =	shalt  }
0x65: {  	_ =	shalt  }
0x66: {  	_ =	shalt  }
0x67: {  	_ =	shalt  }
0x68: {  	_ =	shalt  }
0x69: {  	_ =	shalt  }
0x6a: {  	_ =	shalt  }
0x6b: {  	_ =	shalt  }
0x6c: {  	_ =	shalt  }
0x6d: {  	_ =	shalt  }
0x6e: {  	_ =	shalt  }
0x6f: {  	_ =	shalt  }
0x70: {  	_ =	shalt  }
0x71: {  	_ =	shalt  }
0x72: {  	_ =	shalt  }
0x73: {  	_ =	shalt  }
0x74: {  	_ =	shalt  }
0x75: {  	_ =	shalt  }
0x76: {  	_ =	shalt  }
0x77: {  	_ =	shalt  }
0x78: {  	_ =	shalt  }
0x79: {  	_ =	shalt  }
0x7a: {  	_ =	shalt  }
0x7b: {  	_ =	shalt  }
0x7c: {  	_ =	shalt  }
0x7d: {  	_ =	shalt  }
0x7e: {  	_ =	shalt  }
0x7f: {  	_ =	shalt  }
0x80: {  	_ =	shalt  }
0x81: {  	_ =	shalt  }
0x82: {  	_ =	shalt  }
0x83: {  	_ =	shalt  }
0x84: {  	_ =	shalt  }
0x85: {  	_ =	shalt  }
0x86: {  	_ =	shalt  }
0x87: {  	_ =	shalt  }
.Lfunc_end0:
.L_simem_size_0:
called_computation_lowered:
.L_overlay_start_0:
0x88: {  	s2 =	sld [smem:$0x3FD9]  }
0x89: {  	s3 =	sld [smem:$0x3FFE];
	_ =	sdelay $0x1  }
0x8a: {  	s1 =	srdreg.scid  }
0x8b: {  	s0 =	sand.u32 $0x1, s1  }
0x8c: {  	s17 =	sshll.u32 s0, $0xA;
	s2 =	sadd.s32 s3, s2  }
0x8d: {  	s2 =	sadd.s32 s2, s17  }
0x8e: {  	[smem:$0x3FAC] =	sst s2  }
0x8f: {  	_ = 	snop  }
0x90: {  	s18 =	sld [smem:$0x3FD0];
	(tm) =	ssettm $0x1  }
0x91: {  	s19 =	sld [smem:$0x3FFB];
	_ =	sdelay $0x3  }
0x92: {  	_ =	strace s19  }
0x93: {  	s2 =	sld [smem:$0x3FFC];
	_ =	sdelay $0x3  }
0x94: {  	_ =	strace s2  }
0x95: {  	s2 =	sld [smem:$0x3FFD];
	_ =	sdelay $0x3  }
0x96: {  	_ =	strace s2  }
0x97: {  	_ =	strace $0x8FFFFFFF  }
0x98: {  	s20 =	sld [smem:$0x3FDB];
	_ =	sdelay $0x1  }
0x99: {  	s4 =	simm.s32 $_scs_section_size  }
0x9a: {  	s5 =	simm.s32 $_size__tile_overlayer_lowered;
	s6 =	simm.s32 $_tile_overlayer_lowered  }
0x9b: {  	s7 =	simm.s32 $0x1BFF;
	s21 =	sshll.u32 s6, $0x1;
	s4 =	sadd.s32 s4, s20  }
0x9c: {  	s22 =	simm.s32 $0x0;
	s5 =	sshll.u32 s5, $0x1;
	s6 =	sadd.s32 s21, s4  }
0x9d: {  	[timem:s22], [sflag:s7] =	dma.local [hbm:s6], s5  }
0x9e: {  	_ =	swait.ge [sflag:s7], s5  }
0x9f: {  	s5 =	ssub.s32 $0x0, s5;
	[sflag:s7] =	ssyncset.done $0x0  }
0xa0: {  	[sflag:s7] =	ssyncadd.s32 s5;
	_ =	sdelay $0x1  }
0xa1: {  	s23 =	simm.s32 $0x1B8B  }
0xa2: {  	_ =	swait.ge [sflag:s23], $0x1  }
0xa3: {  	[sflag:s23] =	ssyncset.done $0x0  }
0xa4: {  	[sflag:s23] =	ssyncadd.s32 $0xFFFFFFFF  }
0xa5: {  	s5 =	sld [smem:$0x0]  }
0xa6: {  	s6 =	sand.u32 $0xFFFFFFFE, s1  }
0xa7: {  	p0 =	sne.s32 s1, s6  }
0xa8: {  	s6 =	sshll.u32 @p0 s6, $0xE  }
0xa9: {  	s6 =	sadd.s32 @p0 $0x11B8D, s6;
	s7 =	sshll.u32 @p0 s5, $0x11  }
0xaa: {  	s6 =	sor.u32 @p0 s7, s6  }
0xab: {  	[sflag:s6] =	ssyncadd.remote.s32 @p0 $0x1;
	_ =	sdelay $0x1  }
0xac: {  	s6 =	simm.s32 @p0 $0x1B8D  }
0xad: {  	_ =	swait.eq @p0 [sflag:s6], $0x1  }
0xae: {  	[sflag:s6] =	ssyncadd.s32 @p0 $0xFFFFFFFF  }
0xaf: {  	s7 =	sshll.u32 @!p0 s1, $0xE  }
0xb0: {  	s7 =	sor.u32 @!p0 $0x4000, s7;
	s6 =	simm.s32 @!p0 $0x1B8D  }
0xb1: {  	s5 =	sshll.u32 @!p0 s5, $0x11;
	s7 =	sadd.s32 @!p0 $0x11B8D, s7;
	_ =	swait.eq @!p0 [sflag:s6], $0x1  }
0xb2: {  	s5 =	sor.u32 @!p0 s5, s7;
	[sflag:s6] =	ssyncadd.s32 @!p0 $0xFFFFFFFF  }
0xb3: {  	s25 =	simm.s32 $0x1B8E;
	s24 =	sld [smem:$0x3FFE];
	[sflag:s5] =	ssyncadd.remote.s32 @!p0 $0x1  }
0xb4: {  	s26 =	simm.s32 $execute0_lowered;
	[smem:$0x3FD2] =	sst s25  }
0xb5: {  	s6 =	sshll.u32 s26, $0x1;
	_ =	strace $0x80000049;
	[dreg:$0x1] =	wrdreg $0xFFFFFFFF  }
0xb6: {  	s28 =	simm.s32 $_size_execute0_lowered;
	s4 =	sadd.s32 s4, s6;
	[dreg:$0x0] =	wrdreg $0x0  }
0xb7: {  	s6 =	sshll.u32 s28, $0x1;
	[dreg:$0x2] =	wrdreg s4  }
0xb8: {  	[dreg:$0x3] =	wrdreg s6  }
0xb9: {  	[dreg:$0x4] =	wrdreg $0xC0  }
0xba: {  	_ =	task [dreg:s22], $0x5FFFF  }
0xbb: {  	[dreg:$0x1] =	wrdreg $0xFFFFFFFF  }
0xbc: {  	[dreg:$0x0] =	wrdreg $0x60  }
0xbd: {  	[dreg:$0x2] =	wrdreg s24  }
0xbe: {  	[dreg:$0x3] =	wrdreg s18  }
0xbf: {  	[dreg:$0x4] =	wrdreg $0x90000  }
0xc0: {  	[dreg:$0x5] =	wrdreg $0x9  }
0xc1: {  	_ =	task.clear_ibuf [dreg:s22], $0x6FFFF;
	_ =	strace $0x90000049  }
0xc2: {  	s29 =	simm.s32 $0x9;
	_ =	strace $0x8000004B  }
0xc3: {  	_ =	swait.ge [sflag:s29], $0x1  }
0xc4: {  	[sflag:s29] =	ssyncadd.s32 $0xFFFFFFFF  }
0xc5: {  	_ =	strace $0x9000004B  }
0xc6: {  	_ =	sfence  }
0xc7: {  	s30 =	sld [smem:$0x0];
	_ =	sdelay $0x2  }
0xc8: {  	s31 =	sshll.u32 s1, $0xD;
	s1 =	sshrl.u32 s1, $0x2  }
0xc9: {  	s4 =	sand.u32 $0x4000, s31;
	s1 =	sadd.s32 s1, s30  }
0xca: {  	s0 =	sor.u32 s4, s0;
	s1 =	sshll.u32 s1, $0x11  }
0xcb: {  	s0 =	sor.u32 s1, s0  }
0xcc: {  	s0 =	sadd.s32 $0x8F2B, s0  }
0xcd: {  	[sflag:s0] =	ssyncadd.remote.s32 $0x1  }
0xce: {  	_ =	sfence.sel $0xFFFF  }
0xcf: {  	[dreg:$0x0] =	wrdreg $0xFFFFFFFF;
	(pc) =	sbr.abs _section_cstart, $3  }
0xd0: {  	[dreg:$0x1] =	wrdreg $0xFFFFFFFF  }
0xd1: {  	_ =	task.clear_ibuf [dreg:s22], $0x2FFFF;
	_ =	strace $0x9FFFFFFF  }
0xd2: {  	(tm) =	ssettm $0x7FFFFFFF  }
0xd3: {  	_ =	shalt  }
tec
execute0_lowered:
.L_overlay_start_1:
0x0: {  	(tag) =	ssettag $0x1  }
0x1: {  	s6 =	rddreg [dreg:$0x0]  }
0x2: {  	s2 =	rddreg [dreg:$0x1]  }
0x3: {  	s0 =	srdreg.scid;
	s3 =	rddreg [dreg:$0x2];
	s4 =	simm.s32 $0x0  }
0x4: {  	s13 =	simm.s32 $0x80;
	s5 =	sand.u32 $0x1, s0;
	s0 =	stileid.u32  }
0x5: {  	s14 =	simm.s32 $0x0;
	[smem:$0x7FF] =	sst s4;
	s8 =	smul.u32 $0x13C00, s0  }
0x6: {  	s1 =	sshll.u32 s5, $0x4;
	s9 =	smul.u32 $0x13C000, s5;
	s5 =	ssub.s32 $0x2, s5  }
0x7: {  	s29 =	smul.u32 $0x4F000, s0;
	s31 =	sshll.u32 s0, $0x6;
	s1 =	sor.u32 s0, s1  }
0x8: {  	s11 =	sshrl.u32 s5, $0x1;
	s7 =	smul.u32 $0xA00, s1;
	s1 =	rddreg [dreg:$0x3]  }
0x9: {  	_ =	strace $0x8000004A;
	s10 =	sshrl.u32 s8, $0x3;
	s8 =	sadd.s32 s8, s9  }
0xa: {  	s11 =	ssub.s32 s5, s11;
	s30 =	sshrl.u32 s29, $0x2;
	s10 =	sadd.s32 s10, s6  }
0xb: {  	s8 =	sshrl.u32 s8, $0x3;
	s12 =	sadd.s32 s30, s3;
	s9 =	smax.u32 s11, $0x1  }
0xc: {  	s11 =	simm.s32 $0x1;
	s7 =	sadd.s32 s7, s6;
	s8 =	sadd.s32 s8, s6  }
0xd: {  	s5 =	sadd.s32 $0x7B600, s10;
	s6 =	sor.u32 $0x1C01, s31;
	s10 =	sshrl.u32 s12, $0x3  }
0xe: {  	s12 =	simm.s32 $0x5000;
	s7 =	sadd.s32 $0xF1E00, s7;
	s8 =	sadd.s32 $0x105E00, s8  }
.LBB2_1:
0xf: {  	[spmem:s10], [sflag:s6] =	dma.local [hbm:s5], $0x2780  }
0x10: {  	_ =	swait.ge [sflag:s11], $0x2780  }
0x11: {  	[sflag:s11] =	ssyncset.done $0x0  }
0x12: {  	[sflag:s11] =	ssyncadd.s32 $0xFFFFD880  }
0x13: {  	[tilespmem:s4], [sflag:$0x1] =	stream.linear.gather [hbm4b:s7+s4], $0x5000, $0x38;
	[tilespmem:$0x1CC00] =	vst v63  }
0x14: {  	_ =	swait.ge [sflag:s11], $0x5000  }
0x15: {  	[sflag:s11] =	ssyncset.done $0x0  }
0x16: {  	[sflag:s11] =	ssyncadd.s32 $0xFFFFB000  }
0x17: {  	[tilespmem:s12], [sflag:$0x1] =	stream.linear.gather [hbm4b:s2+s4], $0x4000, $0x38;
	[tilespmem:$0x1CC00] =	vst v63  }
0x18: {  	_ =	swait.ge [sflag:s11], $0x4000  }
0x19: {  	[sflag:s11] =	ssyncset.done $0x0  }
0x1a: {  	[sflag:s11] =	ssyncadd.s32 $0xFFFFC000  }
0x1b: {  	s15 =	simm.s32 $0x0;
	[bflag:$0x0] =	sbarrier.arrive $0xFFFF  }
0x1c: {  	[spmem:s3] =	stream.indirect.scatter.add.f32 [tilespmem:s12], [sflag:$0x1], $0x80, s15, s13, $0xb8;
	[tilespmem:$0x1CC00] =	vst v63  }
0x1d: {  	_ =	swait.ge [sflag:s11], $0x4000  }
0x1e: {  	s15 =	simm.s32 $0x200;
	[sflag:s11] =	ssyncset.done $0x0  }
.LBB2_2:
0x1f: {  	s16 =	sshra.s32 s15, $0x2;
	[sflag:s11] =	ssyncadd.s32 $0xFFFFC000;
	p0 =	sne.s32 s15, $0x13E00  }
0x20: {  	[spmem:s3] =	stream.indirect.scatter.add.f32 [tilespmem:s12], [sflag:$0x1], $0x80, s16, s13, $0xb8;
	[tilespmem:$0x1CC00] =	vst v63  }
.Ltmp0:
0x21: {  	_ = 	snop;
	(pc) =	sbr.rel @p0 .LBB2_2-.Ltmp0, $4  }
0x22: {  	_ = 	snop  }
0x23: {  	s15 =	sadd.s32 $0x200, s15  }
0x24: {  	_ =	swait.ge [sflag:s11], $0x4000  }
0x25: {  	[sflag:s11] =	ssyncset.done $0x0  }
0x26: {  	s14 =	sadd.s32 $0x1, s14  }
0x27: {  	[sflag:s11] =	ssyncadd.s32 $0xFFFFC000;
	p0 =	sne.s32 s14, s9  }
.Ltmp1:
0x28: {  	[bflag:$0x0] =	sbarrier.arrive $0xFFFF;
	(pc) =	sbr.rel @p0 .LBB2_1-.Ltmp1, $4  }
0x29: {  	[hbm:s8], [sflag:s6] =	dma.local [spmem:s10], $0x2780  }
0x2a: {  	_ =	swait.ge [sflag:s11], $0x2780  }
0x2b: {  	[sflag:s11] =	ssyncset.done $0x0  }
0x2c: {  	[sflag:s11] =	ssyncadd.s32 $0xFFFFD880  }
0x2d: {  	_ =	sfence.sel $0x180000  }
0x2e: {  	[bflag:$0x0] =	sbarrier.arrive $0xFFFF  }
0x2f: {  	p0 =	sne.s32 s0, $0x0;
	_ =	strace $0x9000004A  }
0x30: {  	s0 =	sadd.s32 @!p0 $0x100000, s1;
	[bflag:$0x2] =	sbarrier.arrive $0xFFFF  }
0x31: {  	[sflag:s0] =	ssyncadd.tile.s32 @!p0 $0x1;
	_ =	shalt  }
.Lfunc_end2:
_tile_overlayer_lowered:
.L_overlay_start_2:
0x32: {  	(tag) =	ssettag $0x2  }
0x33: {  	s0 =	rddreg [dreg:$0x0];
	s2 =	stileid.u32  }
0x34: {  	s1 =	rddreg [dreg:$0x1];
	p0 =	sne.s32 s2, $0x0  }
0x35: {  	s3 =	rddreg [dreg:$0x2];
	[bflag:$0x3] =	sbarrier.arrive $0xFFFF;
	s2 =	simm.s32 @!p0 $0x1C01  }
0x36: {  	[timem:s3], [sflag:s2] =	dma.local @!p0 [hbm:s0], s1  }
0x37: {  	s0 =	simm.s32 @!p0 $0x1  }
0x38: {  	_ =	swait.ge @!p0 [sflag:s0], s1  }
0x39: {  	s1 =	ssub.s32 @!p0 $0x0, s1;
	[sflag:s0] =	ssyncset.done @!p0 $0x0  }
0x3a: {  	[sflag:s0] =	ssyncadd.s32 @!p0 s1  }
0x3b: {  	[bflag:$0x3] =	sbarrier.arrive $0xFFFF  }
0x3c: {  	_ =	shalt  }

// kernel: kernel.15.cloned.1.call-start
scs
__scs_entry_jumppad:
0x0: {  	(pc) =	sbr.rel $0x88, $3  }
0x1: {  	(tag) =	ssettag $0x0;
	lr =	simm.s32 $0x1  }
0x2: {  	[smem:$0x3F85] =	sst lr;
	_ =	strace $0xD0000000  }
0x3: {  	_ = 	snop  }
0x4: {  	_ = 	snop  }
0x5: {  	_ = 	snop  }
0x6: {  	_ = 	snop  }
0x7: {  	_ = 	snop  }
__scs_overlays_trampoline_lowered:
0x8: {  	[smem:$0x3F94] =	sst s0  }
0x9: {  	[smem:$0x3F95] =	sst s1  }
0xa: {  	[smem:$0x3F96] =	sst s2  }
0xb: {  	[smem:$0x3F97] =	sst s3  }
0xc: {  	[smem:$0x3F98] =	sst s4  }
0xd: {  	[smem:$0x3F99] =	sst s5  }
0xe: {  	[smem:$0x3F9A] =	sst s6  }
0xf: {  	[smem:$0x3F9B] =	sst s7  }
0x10: {  	[smem:$0x3F9C] =	sst s8  }
0x11: {  	[smem:$0x3F9D] =	sst s9;
	s0 =	simm.s32 @!p0 $0x0  }
0x12: {  	s1 =	sld [smem:$0x3F83];
	s0 =	simm.s32 @p0 $0x1  }
0x13: {  	[smem:$0x3F9E] =	sst s0;
	s0 =	simm.s32 @!p1 $0x0  }
0x14: {  	s2 =	sld [smem:$0x3F82];
	s0 =	simm.s32 @p1 $0x1  }
0x15: {  	[smem:$0x3F9F] =	sst s0;
	s0 =	simm.s32 @!p2 $0x0  }
0x16: {  	s3 =	sld [smem:$0x3FDB];
	s0 =	simm.s32 @p2 $0x1  }
0x17: {  	s4 =	simm.s32 $0x1BF5;
	[smem:$0x3FA1] =	sst s0  }
0x18: {  	s0 =	sld [smem:$0x3F84];
	_ =	swait.ge [sflag:s4], $0x0  }
0x19: {  	s7 =	sld [smem:$0x3F85]  }
0x1a: {  	s8 =	sadd.s32 $0xFFFFE003, lr  }
0x1b: {  	s9 =	sadd.s32 $0xFFFFFEF7, lr;
	s5 =	simm.s32 $0xFFFFFFFF;
	p2 =	slt.u32 s8, $0xFFFFF086  }
0x1c: {  	p1 =	slt.u32 s9, $0xF7A;
	s5 =	simm.s32 @!p2 $0x0  }
0x1d: {  	s5 =	simm.s32 @p1 $0x1;
	p0 =	seq.s32 s7, s2  }
0x1e: {  	s7 =	smul.u32 @!p0 $0xF7A, s2;
	p2 =	seq.s32 @!p0 s5, $0x0  }
0x1f: {  	s9 =	smul.u32 $0xF7A, s1;
	s8 =	simm.s32 @!p0 $0x1BF5;
	p2 =	por !p2, p0  }
0x20: {  	[sflag:s8] =	ssyncset.s32 @!p0 $0xFFFFF086;
	s6 =	sadd.s32 @!p0 s3, s7;
	s7 =	simm.s32 @!p0 $0x108  }
0x21: {  	s3 =	sadd.s32 s3, s9;
	s6 =	sadd.s32 @!p0 $0x88, s6;
	s7 =	simm.s32 @p2 $0x1082  }
0x22: {  	[simem:s7], [sflag:s8] =	dma.local @!p0 [hbm:s6], $0xF7A  }
0x23: {  	s9 =	sor.u32 $0xD0000000, s2;
	s6 =	simm.s32 $0x108;
	_ =	swait.ge @!p0 [sflag:s8], $0x0  }
0x24: {  	s3 =	sadd.s32 $0x88, s3;
	s6 =	simm.s32 @!p1 $0x1082;
	[sflag:s4] =	ssyncset.s32 $0xFFFFF086  }
0x25: {  	[simem:s6], [sflag:s4] =	dma.local [hbm:s3], $0xF7A  }
0x26: {  	[smem:$0x3F85] =	sst s1;
	(tag) =	ssettag s2;
	_ =	strace s9  }
0x27: {  	s1 =	sld [smem:$0x3F95]  }
0x28: {  	s2 =	sld [smem:$0x3F96]  }
0x29: {  	s4 =	sld [smem:$0x3F98]  }
0x2a: {  	p0 =	seq.s32 s5, $0x0;
	s5 =	sld [smem:$0x3F99]  }
0x2b: {  	s6 =	sld [smem:$0x3F9A]  }
0x2c: {  	s7 =	sld [smem:$0x3F9B]  }
0x2d: {  	s3 =	simm.s32 $0x108;
	s8 =	sld [smem:$0x3F9C]  }
0x2e: {  	s3 =	simm.s32 @!p0 $0x1082;
	s9 =	sld [smem:$0x3F9D]  }
0x2f: {  	lr =	sadd.s32 s0, s3;
	s0 =	sld [smem:$0x3F94]  }
0x30: {  	s3 =	sld [smem:$0x3F97]  }
0x31: {  	[smem:$0x3FA0] =	sst s10  }
0x32: {  	s10 =	sld [smem:$0x3F9E];
	_ =	sdelay $0x3  }
0x33: {  	p0 =	seq.s32 s10, $0x1;
	s10 =	sld [smem:$0x3FA0];
	_ =	sdelay $0x3  }
0x34: {  	[smem:$0x3FA0] =	sst s10  }
0x35: {  	s10 =	sld [smem:$0x3F9F];
	_ =	sdelay $0x3  }
0x36: {  	p1 =	seq.s32 s10, $0x1;
	s10 =	sld [smem:$0x3FA0];
	_ =	sdelay $0x3  }
0x37: {  	[smem:$0x3FA0] =	sst s10  }
0x38: {  	s10 =	sld [smem:$0x3FA1]  }
0x39: {  	_ = 	snop;
	(pc) =	sbr.ind lr, $3  }
0x3a: {  	_ = 	snop  }
0x3b: {  	_ = 	snop  }
0x3c: {  	p2 =	seq.s32 s10, $0x1;
	s10 =	sld [smem:$0x3FA0]  }
0x3d: {  	_ =	shalt  }
0x3e: {  	_ =	shalt  }
0x3f: {  	_ =	shalt  }
0x40: {  	_ =	shalt  }
0x41: {  	_ =	shalt  }
0x42: {  	_ =	shalt  }
0x43: {  	_ =	shalt  }
0x44: {  	_ =	shalt  }
0x45: {  	_ =	shalt  }
0x46: {  	_ =	shalt  }
0x47: {  	_ =	shalt  }
0x48: {  	_ =	shalt  }
0x49: {  	_ =	shalt  }
0x4a: {  	_ =	shalt  }
0x4b: {  	_ =	shalt  }
0x4c: {  	_ =	shalt  }
0x4d: {  	_ =	shalt  }
0x4e: {  	_ =	shalt  }
0x4f: {  	_ =	shalt  }
0x50: {  	_ =	shalt  }
0x51: {  	_ =	shalt  }
0x52: {  	_ =	shalt  }
0x53: {  	_ =	shalt  }
0x54: {  	_ =	shalt  }
0x55: {  	_ =	shalt  }
0x56: {  	_ =	shalt  }
0x57: {  	_ =	shalt  }
0x58: {  	_ =	shalt  }
0x59: {  	_ =	shalt  }
0x5a: {  	_ =	shalt  }
0x5b: {  	_ =	shalt  }
0x5c: {  	_ =	shalt  }
0x5d: {  	_ =	shalt  }
0x5e: {  	_ =	shalt  }
0x5f: {  	_ =	shalt  }
0x60: {  	_ =	shalt  }
0x61: {  	_ =	shalt  }
0x62: {  	_ =	shalt  }
0x63: {  	_ =	shalt  }
0x64: {  	_ =	shalt  }
0x65: {  	_ =	shalt  }
0x66: {  	_ =	shalt  }
0x67: {  	_ =	shalt  }
0x68: {  	_ =	shalt  }
0x69: {  	_ =	shalt  }
0x6a: {  	_ =	shalt  }
0x6b: {  	_ =	shalt  }
0x6c: {  	_ =	shalt  }
0x6d: {  	_ =	shalt  }
0x6e: {  	_ =	shalt  }
0x6f: {  	_ =	shalt  }
0x70: {  	_ =	shalt  }
0x71: {  	_ =	shalt  }
0x72: {  	_ =	shalt  }
0x73: {  	_ =	shalt  }
0x74: {  	_ =	shalt  }
0x75: {  	_ =	shalt  }
0x76: {  	_ =	shalt  }
0x77: {  	_ =	shalt  }
0x78: {  	_ =	shalt  }
0x79: {  	_ =	shalt  }
0x7a: {  	_ =	shalt  }
0x7b: {  	_ =	shalt  }
0x7c: {  	_ =	shalt  }
0x7d: {  	_ =	shalt  }
0x7e: {  	_ =	shalt  }
0x7f: {  	_ =	shalt  }
0x80: {  	_ =	shalt  }
0x81: {  	_ =	shalt  }
0x82: {  	_ =	shalt  }
0x83: {  	_ =	shalt  }
0x84: {  	_ =	shalt  }
0x85: {  	_ =	shalt  }
0x86: {  	_ =	shalt  }
0x87: {  	_ =	shalt  }
.Lfunc_end0:
.L_simem_size_0:
called_computation.1_lowered:
.L_overlay_start_0:
0x88: {  	s2 =	sld [smem:$0x3FD9]  }
0x89: {  	s3 =	sld [smem:$0x3FFE];
	_ =	sdelay $0x1  }
0x8a: {  	s1 =	srdreg.scid  }
0x8b: {  	s0 =	sand.u32 $0x1, s1  }
0x8c: {  	s16 =	sshll.u32 s0, $0xA;
	s2 =	sadd.s32 s3, s2  }
0x8d: {  	s2 =	sadd.s32 s2, s16  }
0x8e: {  	[smem:$0x3FAC] =	sst s2  }
0x8f: {  	_ = 	snop  }
0x90: {  	(tm) =	ssettm $0x1  }
0x91: {  	s17 =	sld [smem:$0x3FFB];
	_ =	sdelay $0x3  }
0x92: {  	_ =	strace s17  }
0x93: {  	s2 =	sld [smem:$0x3FFC];
	_ =	sdelay $0x3  }
0x94: {  	_ =	strace s2  }
0x95: {  	s2 =	sld [smem:$0x3FFD];
	_ =	sdelay $0x3  }
0x96: {  	_ =	strace s2  }
0x97: {  	_ =	strace $0x8FFFFFFF  }
0x98: {  	s18 =	sld [smem:$0x3FDB];
	_ =	sdelay $0x1  }
0x99: {  	s19 =	simm.s32 $_scs_section_size  }
0x9a: {  	s4 =	simm.s32 $_size__tile_overlayer_lowered;
	s5 =	simm.s32 $_tile_overlayer_lowered  }
0x9b: {  	s22 =	simm.s32 $0x1BFF;
	s21 =	sshll.u32 s5, $0x1;
	s2 =	sadd.s32 s19, s18  }
0x9c: {  	s6 =	simm.s32 $0x0;
	s20 =	sshll.u32 s4, $0x1;
	s4 =	sadd.s32 s21, s2  }
0x9d: {  	[timem:s6], [sflag:s22] =	dma.local [hbm:s4], s20  }
0x9e: {  	_ =	swait.ge [sflag:s22], s20  }
0x9f: {  	s3 =	ssub.s32 $0x0, s20;
	[sflag:s22] =	ssyncset.done $0x0  }
0xa0: {  	[sflag:s22] =	ssyncadd.s32 s3;
	_ =	sdelay $0x1  }
0xa1: {  	s23 =	simm.s32 $0x1B8B  }
0xa2: {  	_ =	swait.ge [sflag:s23], $0x1  }
0xa3: {  	[sflag:s23] =	ssyncset.done $0x0  }
0xa4: {  	s25 =	simm.s32 $0x1B8E;
	s24 =	sld [smem:$0x3FFE];
	[sflag:s23] =	ssyncadd.s32 $0xFFFFFFFF  }
0xa5: {  	s26 =	simm.s32 $execute0_lowered;
	[smem:$0x3FD2] =	sst s25  }
0xa6: {  	s4 =	sshll.u32 s26, $0x1;
	_ =	strace $0x80000046;
	[dreg:$0x1] =	wrdreg $0xFFFFFFFF  }
0xa7: {  	s28 =	simm.s32 $_size_execute0_lowered;
	s2 =	sadd.s32 s2, s4;
	[dreg:$0x0] =	wrdreg $0x0  }
0xa8: {  	s4 =	sshll.u32 s28, $0x1;
	[dreg:$0x2] =	wrdreg s2  }
0xa9: {  	[dreg:$0x3] =	wrdreg s4  }
0xaa: {  	[dreg:$0x4] =	wrdreg $0xC0  }
0xab: {  	_ =	task [dreg:s6], $0x5FFFF  }
0xac: {  	[dreg:$0x1] =	wrdreg $0xFFFFFFFF  }
0xad: {  	[dreg:$0x0] =	wrdreg $0x60  }
0xae: {  	[dreg:$0x2] =	wrdreg s24  }
0xaf: {  	[dreg:$0x3] =	wrdreg $0x41000  }
0xb0: {  	[dreg:$0x4] =	wrdreg $0xA  }
0xb1: {  	_ =	task.clear_ibuf [dreg:s6], $0x5FFFF;
	_ =	strace $0x90000046  }
0xb2: {  	s29 =	simm.s32 $0xA;
	_ =	strace $0x80000048  }
0xb3: {  	_ =	swait.ge [sflag:s29], $0x1  }
0xb4: {  	[sflag:s29] =	ssyncadd.s32 $0xFFFFFFFF  }
0xb5: {  	_ =	strace $0x90000048  }
0xb6: {  	_ =	sfence  }
0xb7: {  	s30 =	sld [smem:$0x0];
	_ =	sdelay $0x2  }
0xb8: {  	s31 =	sshll.u32 s1, $0xD;
	s1 =	sshrl.u32 s1, $0x2  }
0xb9: {  	s3 =	sand.u32 $0x4000, s31;
	s1 =	sadd.s32 s1, s30  }
0xba: {  	s0 =	sor.u32 s3, s0;
	s1 =	sshll.u32 s1, $0x11  }
0xbb: {  	s0 =	sor.u32 s1, s0  }
0xbc: {  	s0 =	sadd.s32 $0x8F2B, s0  }
0xbd: {  	[sflag:s0] =	ssyncadd.remote.s32 $0x1  }
0xbe: {  	_ =	sfence.sel $0xFFFF  }
0xbf: {  	[dreg:$0x0] =	wrdreg $0xFFFFFFFF;
	(pc) =	sbr.abs _section_cstart, $3  }
0xc0: {  	[dreg:$0x1] =	wrdreg $0xFFFFFFFF  }
0xc1: {  	_ =	task.clear_ibuf [dreg:s6], $0x2FFFF;
	_ =	strace $0x9FFFFFFF  }
0xc2: {  	(tm) =	ssettm $0x7FFFFFFF  }
0xc3: {  	_ =	shalt  }
tec
execute0_lowered:
.L_overlay_start_1:
0x0: {  	(tag) =	ssettag $0x1  }
0x1: {  	s5 =	rddreg [dreg:$0x0]  }
0x2: {  	s0 =	srdreg.scid;
	s1 =	stileid.u32  }
0x3: {  	s2 =	rddreg [dreg:$0x1];
	s8 =	smul.u32 $0x13C00, s1  }
0x4: {  	s3 =	simm.s32 $0x0;
	s13 =	simm.s32 $0x100;
	s11 =	smul.u32 $0x4F000, s1  }
0x5: {  	s6 =	sand.u32 $0x1, s0;
	s0 =	rddreg [dreg:$0x2];
	s30 =	smul.u32 $0x13A0, s1  }
0x6: {  	s14 =	simm.s32 $0x0;
	[smem:$0x7FF] =	sst s3;
	s7 =	smul.u32 $0x13A00, s6  }
0x7: {  	s4 =	sadd.s32 $0x2D400, s5;
	s29 =	sshll.u32 s1, $0x6;
	s9 =	smul.u32 $0x13C000, s6  }
0x8: {  	_ =	strace $0x80000047;
	s6 =	ssub.s32 $0x2, s6;
	s25 =	sshrl.u32 s8, $0x3  }
0x9: {  	s26 =	sshrl.u32 s6, $0x1;
	s28 =	sshrl.u32 s11, $0x2;
	s11 =	simm.s32 $0x1  }
0xa: {  	s10 =	sadd.s32 s7, s5;
	s8 =	sadd.s32 s8, s9;
	s7 =	sadd.s32 s25, s5  }
0xb: {  	s9 =	ssub.s32 s6, s26;
	s12 =	sadd.s32 s28, s2;
	s6 =	sor.u32 $0x1C01, s29  }
0xc: {  	s8 =	sshrl.u32 s8, $0x3;
	s31 =	sadd.s32 s30, s10;
	s10 =	sshrl.u32 s12, $0x3  }
0xd: {  	s12 =	simm.s32 $0x80;
	s8 =	sadd.s32 s8, s5;
	s5 =	sadd.s32 $0x7B600, s7  }
0xe: {  	s7 =	sadd.s32 $0xA2E00, s8;
	s8 =	smax.u32 s9, $0x1;
	s9 =	sadd.s32 $0x6000, s31  }
.LBB2_1:
0xf: {  	[spmem:s10], [sflag:s6] =	dma.local [hbm:s5], $0x2780  }
0x10: {  	_ =	swait.ge [sflag:s11], $0x2780  }
0x11: {  	[sflag:s11] =	ssyncset.done $0x0  }
0x12: {  	[sflag:s11] =	ssyncadd.s32 $0xFFFFD880  }
0x13: {  	s15 =	sadd.s32 $0x0, s9;
	[bflag:$0x0] =	sbarrier.arrive $0xFFFF  }
0x14: {  	[tilespmem:s3], [sflag:$0x1] =	stream.linear.gather [hbm4b:s15+s3], $0x100, $0x38;
	[tilespmem:$0x17D00] =	vst v63  }
0x15: {  	_ =	swait.ge [sflag:s11], $0x100  }
0x16: {  	[sflag:s11] =	ssyncset.done $0x0  }
0x17: {  	[sflag:s11] =	ssyncadd.s32 $0xFFFFFF00  }
0x18: {  	[tilespmem:s13], [sflag:$0x1] =	stream.indirect.gather [hbm4b:s4+s12], $0x80, s3, s12, $0xb8;
	[tilespmem:$0x17D00] =	vst v63  }
0x19: {  	_ =	swait.ge [sflag:s11], $0x4000  }
0x1a: {  	[sflag:s11] =	ssyncset.done $0x0  }
0x1b: {  	[sflag:s11] =	ssyncadd.s32 $0xFFFFC000  }
0x1c: {  	[spmem:s2] =	stream.indirect.scatter.add.f32 [tilespmem:s13], [sflag:$0x1], $0x80, s12, s12, $0xb8;
	[tilespmem:$0x17D00] =	vst v63  }
0x1d: {  	_ =	swait.ge [sflag:s11], $0x4000  }
0x1e: {  	s16 =	simm.s32 $0x40;
	s15 =	simm.s32 $0x20;
	[sflag:s11] =	ssyncset.done $0x0  }
.LBB2_2:
0x1f: {  	s17 =	sadd.s32 s15, s9  }
0x20: {  	[sflag:s11] =	ssyncadd.s32 $0xFFFFC000;
	s15 =	smov.u32 s16;
	s18 =	sadd.s32 $0x20, s16  }
0x21: {  	[tilespmem:s3], [sflag:$0x1] =	stream.linear.gather [hbm4b:s17+s3], $0x100, $0x38;
	[tilespmem:$0x17D00] =	vst v63  }
0x22: {  	p0 =	sne.s32 s16, $0x1380;
	_ =	swait.ge [sflag:s11], $0x100  }
0x23: {  	[sflag:s11] =	ssyncset.done $0x0  }
0x24: {  	[sflag:s11] =	ssyncadd.s32 $0xFFFFFF00  }
0x25: {  	[tilespmem:s13], [sflag:$0x1] =	stream.indirect.gather [hbm4b:s4+s12], $0x80, s3, s12, $0xb8;
	[tilespmem:$0x17D00] =	vst v63  }
0x26: {  	_ =	swait.ge [sflag:s11], $0x4000  }
.Ltmp0:
0x27: {  	[sflag:s11] =	ssyncset.done $0x0;
	(pc) =	sbr.rel @p0 .LBB2_2-.Ltmp0, $4  }
0x28: {  	[sflag:s11] =	ssyncadd.s32 $0xFFFFC000  }
0x29: {  	[spmem:s2] =	stream.indirect.scatter.add.f32 [tilespmem:s13], [sflag:$0x1], $0x80, s12, s12, $0xb8;
	[tilespmem:$0x17D00] =	vst v63  }
0x2a: {  	_ =	swait.ge [sflag:s11], $0x4000  }
0x2b: {  	s16 =	smov.u32 s18;
	[sflag:s11] =	ssyncset.done $0x0  }
0x2c: {  	s15 =	sadd.s32 s15, s9;
	[sflag:s11] =	ssyncadd.s32 $0xFFFFC000  }
0x2d: {  	[tilespmem:s3], [sflag:$0x1] =	stream.linear.gather [hbm4b:s15+s3], $0x100, $0x38;
	[tilespmem:$0x17D00] =	vst v63  }
0x2e: {  	_ =	swait.ge [sflag:s11], $0x100  }
0x2f: {  	[sflag:s11] =	ssyncset.done $0x0  }
0x30: {  	[sflag:s11] =	ssyncadd.s32 $0xFFFFFF00  }
0x31: {  	[tilespmem:s13], [sflag:$0x1] =	stream.indirect.gather [hbm4b:s4+s12], $0x80, s3, s12, $0xb8;
	[tilespmem:$0x17D00] =	vst v63  }
0x32: {  	_ =	swait.ge [sflag:s11], $0x4000  }
0x33: {  	[sflag:s11] =	ssyncset.done $0x0  }
0x34: {  	[sflag:s11] =	ssyncadd.s32 $0xFFFFC000  }
0x35: {  	[spmem:s2] =	stream.indirect.scatter.add.f32 [tilespmem:s13], [sflag:$0x1], $0x80, s12, s12, $0xb8;
	[tilespmem:$0x17D00] =	vst v63  }
0x36: {  	_ =	swait.ge [sflag:s11], $0x4000  }
0x37: {  	s14 =	sadd.s32 $0x1, s14;
	[sflag:s11] =	ssyncset.done $0x0  }
0x38: {  	p0 =	sne.s32 s14, s8;
	[sflag:s11] =	ssyncadd.s32 $0xFFFFC000  }
.Ltmp1:
0x39: {  	[bflag:$0x0] =	sbarrier.arrive $0xFFFF;
	(pc) =	sbr.rel @p0 .LBB2_1-.Ltmp1, $4  }
0x3a: {  	[hbm:s7], [sflag:s6] =	dma.local [spmem:s10], $0x2780  }
0x3b: {  	_ =	swait.ge [sflag:s11], $0x2780  }
0x3c: {  	[sflag:s11] =	ssyncset.done $0x0  }
0x3d: {  	[sflag:s11] =	ssyncadd.s32 $0xFFFFD880  }
0x3e: {  	_ =	sfence.sel $0x180000  }
0x3f: {  	[bflag:$0x0] =	sbarrier.arrive $0xFFFF  }
0x40: {  	p0 =	sne.s32 s1, $0x0;
	_ =	strace $0x90000047  }
0x41: {  	s0 =	sadd.s32 @!p0 $0x100000, s0;
	[bflag:$0x2] =	sbarrier.arrive $0xFFFF  }
0x42: {  	[sflag:s0] =	ssyncadd.tile.s32 @!p0 $0x1;
	_ =	shalt  }
.Lfunc_end2:
_tile_overlayer_lowered:
.L_overlay_start_2:
0x43: {  	(tag) =	ssettag $0x2  }
0x44: {  	s0 =	rddreg [dreg:$0x0];
	s2 =	stileid.u32  }
0x45: {  	s1 =	rddreg [dreg:$0x1];
	p0 =	sne.s32 s2, $0x0  }
0x46: {  	s3 =	rddreg [dreg:$0x2];
	[bflag:$0x3] =	sbarrier.arrive $0xFFFF;
	s2 =	simm.s32 @!p0 $0x1C01  }
0x47: {  	[timem:s3], [sflag:s2] =	dma.local @!p0 [hbm:s0], s1  }
0x48: {  	s0 =	simm.s32 @!p0 $0x1  }
0x49: {  	_ =	swait.ge @!p0 [sflag:s0], s1  }
0x4a: {  	s1 =	ssub.s32 @!p0 $0x0, s1;
	[sflag:s0] =	ssyncset.done @!p0 $0x0  }
0x4b: {  	[sflag:s0] =	ssyncadd.s32 @!p0 s1  }
0x4c: {  	[bflag:$0x3] =	sbarrier.arrive $0xFFFF  }
0x4d: {  	_ =	shalt  }

// kernel: kernel.18.cloned.1.call-start
scs
__scs_entry_jumppad:
0x0: {  	(pc) =	sbr.rel $0x88, $3  }
0x1: {  	(tag) =	ssettag $0x0;
	lr =	simm.s32 $0x1  }
0x2: {  	[smem:$0x3F85] =	sst lr;
	_ =	strace $0xD0000000  }
0x3: {  	_ = 	snop  }
0x4: {  	_ = 	snop  }
0x5: {  	_ = 	snop  }
0x6: {  	_ = 	snop  }
0x7: {  	_ = 	snop  }
__scs_overlays_trampoline_lowered:
0x8: {  	[smem:$0x3F94] =	sst s0  }
0x9: {  	[smem:$0x3F95] =	sst s1  }
0xa: {  	[smem:$0x3F96] =	sst s2  }
0xb: {  	[smem:$0x3F97] =	sst s3  }
0xc: {  	[smem:$0x3F98] =	sst s4  }
0xd: {  	[smem:$0x3F99] =	sst s5  }
0xe: {  	[smem:$0x3F9A] =	sst s6  }
0xf: {  	[smem:$0x3F9B] =	sst s7  }
0x10: {  	[smem:$0x3F9C] =	sst s8  }
0x11: {  	[smem:$0x3F9D] =	sst s9;
	s0 =	simm.s32 @!p0 $0x0  }
0x12: {  	s1 =	sld [smem:$0x3F83];
	s0 =	simm.s32 @p0 $0x1  }
0x13: {  	[smem:$0x3F9E] =	sst s0;
	s0 =	simm.s32 @!p1 $0x0  }
0x14: {  	s2 =	sld [smem:$0x3F82];
	s0 =	simm.s32 @p1 $0x1  }
0x15: {  	[smem:$0x3F9F] =	sst s0;
	s0 =	simm.s32 @!p2 $0x0  }
0x16: {  	s3 =	sld [smem:$0x3FDB];
	s0 =	simm.s32 @p2 $0x1  }
0x17: {  	s4 =	simm.s32 $0x1BF5;
	[smem:$0x3FA1] =	sst s0  }
0x18: {  	s0 =	sld [smem:$0x3F84];
	_ =	swait.ge [sflag:s4], $0x0  }
0x19: {  	s7 =	sld [smem:$0x3F85]  }
0x1a: {  	s8 =	sadd.s32 $0xFFFFE003, lr  }
0x1b: {  	s9 =	sadd.s32 $0xFFFFFEF7, lr;
	s5 =	simm.s32 $0xFFFFFFFF;
	p2 =	slt.u32 s8, $0xFFFFF086  }
0x1c: {  	p1 =	slt.u32 s9, $0xF7A;
	s5 =	simm.s32 @!p2 $0x0  }
0x1d: {  	s5 =	simm.s32 @p1 $0x1;
	p0 =	seq.s32 s7, s2  }
0x1e: {  	s7 =	smul.u32 @!p0 $0xF7A, s2;
	p2 =	seq.s32 @!p0 s5, $0x0  }
0x1f: {  	s9 =	smul.u32 $0xF7A, s1;
	s8 =	simm.s32 @!p0 $0x1BF5;
	p2 =	por !p2, p0  }
0x20: {  	[sflag:s8] =	ssyncset.s32 @!p0 $0xFFFFF086;
	s6 =	sadd.s32 @!p0 s3, s7;
	s7 =	simm.s32 @!p0 $0x108  }
0x21: {  	s3 =	sadd.s32 s3, s9;
	s6 =	sadd.s32 @!p0 $0x88, s6;
	s7 =	simm.s32 @p2 $0x1082  }
0x22: {  	[simem:s7], [sflag:s8] =	dma.local @!p0 [hbm:s6], $0xF7A  }
0x23: {  	s9 =	sor.u32 $0xD0000000, s2;
	s6 =	simm.s32 $0x108;
	_ =	swait.ge @!p0 [sflag:s8], $0x0  }
0x24: {  	s3 =	sadd.s32 $0x88, s3;
	s6 =	simm.s32 @!p1 $0x1082;
	[sflag:s4] =	ssyncset.s32 $0xFFFFF086  }
0x25: {  	[simem:s6], [sflag:s4] =	dma.local [hbm:s3], $0xF7A  }
0x26: {  	[smem:$0x3F85] =	sst s1;
	(tag) =	ssettag s2;
	_ =	strace s9  }
0x27: {  	s1 =	sld [smem:$0x3F95]  }
0x28: {  	s2 =	sld [smem:$0x3F96]  }
0x29: {  	s4 =	sld [smem:$0x3F98]  }
0x2a: {  	p0 =	seq.s32 s5, $0x0;
	s5 =	sld [smem:$0x3F99]  }
0x2b: {  	s6 =	sld [smem:$0x3F9A]  }
0x2c: {  	s7 =	sld [smem:$0x3F9B]  }
0x2d: {  	s3 =	simm.s32 $0x108;
	s8 =	sld [smem:$0x3F9C]  }
0x2e: {  	s3 =	simm.s32 @!p0 $0x1082;
	s9 =	sld [smem:$0x3F9D]  }
0x2f: {  	lr =	sadd.s32 s0, s3;
	s0 =	sld [smem:$0x3F94]  }
0x30: {  	s3 =	sld [smem:$0x3F97]  }
0x31: {  	[smem:$0x3FA0] =	sst s10  }
0x32: {  	s10 =	sld [smem:$0x3F9E];
	_ =	sdelay $0x3  }
0x33: {  	p0 =	seq.s32 s10, $0x1;
	s10 =	sld [smem:$0x3FA0];
	_ =	sdelay $0x3  }
0x34: {  	[smem:$0x3FA0] =	sst s10  }
0x35: {  	s10 =	sld [smem:$0x3F9F];
	_ =	sdelay $0x3  }
0x36: {  	p1 =	seq.s32 s10, $0x1;
	s10 =	sld [smem:$0x3FA0];
	_ =	sdelay $0x3  }
0x37: {  	[smem:$0x3FA0] =	sst s10  }
0x38: {  	s10 =	sld [smem:$0x3FA1]  }
0x39: {  	_ = 	snop;
	(pc) =	sbr.ind lr, $3  }
0x3a: {  	_ = 	snop  }
0x3b: {  	_ = 	snop  }
0x3c: {  	p2 =	seq.s32 s10, $0x1;
	s10 =	sld [smem:$0x3FA0]  }
0x3d: {  	_ =	shalt  }
0x3e: {  	_ =	shalt  }
0x3f: {  	_ =	shalt  }
0x40: {  	_ =	shalt  }
0x41: {  	_ =	shalt  }
0x42: {  	_ =	shalt  }
0x43: {  	_ =	shalt  }
0x44: {  	_ =	shalt  }
0x45: {  	_ =	shalt  }
0x46: {  	_ =	shalt  }
0x47: {  	_ =	shalt  }
0x48: {  	_ =	shalt  }
0x49: {  	_ =	shalt  }
0x4a: {  	_ =	shalt  }
0x4b: {  	_ =	shalt  }
0x4c: {  	_ =	shalt  }
0x4d: {  	_ =	shalt  }
0x4e: {  	_ =	shalt  }
0x4f: {  	_ =	shalt  }
0x50: {  	_ =	shalt  }
0x51: {  	_ =	shalt  }
0x52: {  	_ =	shalt  }
0x53: {  	_ =	shalt  }
0x54: {  	_ =	shalt  }
0x55: {  	_ =	shalt  }
0x56: {  	_ =	shalt  }
0x57: {  	_ =	shalt  }
0x58: {  	_ =	shalt  }
0x59: {  	_ =	shalt  }
0x5a: {  	_ =	shalt  }
0x5b: {  	_ =	shalt  }
0x5c: {  	_ =	shalt  }
0x5d: {  	_ =	shalt  }
0x5e: {  	_ =	shalt  }
0x5f: {  	_ =	shalt  }
0x60: {  	_ =	shalt  }
0x61: {  	_ =	shalt  }
0x62: {  	_ =	shalt  }
0x63: {  	_ =	shalt  }
0x64: {  	_ =	shalt  }
0x65: {  	_ =	shalt  }
0x66: {  	_ =	shalt  }
0x67: {  	_ =	shalt  }
0x68: {  	_ =	shalt  }
0x69: {  	_ =	shalt  }
0x6a: {  	_ =	shalt  }
0x6b: {  	_ =	shalt  }
0x6c: {  	_ =	shalt  }
0x6d: {  	_ =	shalt  }
0x6e: {  	_ =	shalt  }
0x6f: {  	_ =	shalt  }
0x70: {  	_ =	shalt  }
0x71: {  	_ =	shalt  }
0x72: {  	_ =	shalt  }
0x73: {  	_ =	shalt  }
0x74: {  	_ =	shalt  }
0x75: {  	_ =	shalt  }
0x76: {  	_ =	shalt  }
0x77: {  	_ =	shalt  }
0x78: {  	_ =	shalt  }
0x79: {  	_ =	shalt  }
0x7a: {  	_ =	shalt  }
0x7b: {  	_ =	shalt  }
0x7c: {  	_ =	shalt  }
0x7d: {  	_ =	shalt  }
0x7e: {  	_ =	shalt  }
0x7f: {  	_ =	shalt  }
0x80: {  	_ =	shalt  }
0x81: {  	_ =	shalt  }
0x82: {  	_ =	shalt  }
0x83: {  	_ =	shalt  }
0x84: {  	_ =	shalt  }
0x85: {  	_ =	shalt  }
0x86: {  	_ =	shalt  }
0x87: {  	_ =	shalt  }
.Lfunc_end0:
.L_simem_size_0:
called_computation.2_lowered:
.L_overlay_start_0:
0x88: {  	s2 =	sld [smem:$0x3FD9]  }
0x89: {  	s3 =	sld [smem:$0x3FFE];
	_ =	sdelay $0x1  }
0x8a: {  	s1 =	srdreg.scid  }
0x8b: {  	s0 =	sand.u32 $0x1, s1  }
0x8c: {  	s16 =	sshll.u32 s0, $0xA;
	s2 =	sadd.s32 s3, s2  }
0x8d: {  	s2 =	sadd.s32 s2, s16  }
0x8e: {  	[smem:$0x3FAC] =	sst s2  }
0x8f: {  	_ = 	snop  }
0x90: {  	(tm) =	ssettm $0x1  }
0x91: {  	s17 =	sld [smem:$0x3FFB];
	_ =	sdelay $0x3  }
0x92: {  	_ =	strace s17  }
0x93: {  	s2 =	sld [smem:$0x3FFC];
	_ =	sdelay $0x3  }
0x94: {  	_ =	strace s2  }
0x95: {  	s2 =	sld [smem:$0x3FFD];
	_ =	sdelay $0x3  }
0x96: {  	_ =	strace s2  }
0x97: {  	_ =	strace $0x8FFFFFFF  }
0x98: {  	s18 =	sld [smem:$0x3FDB];
	_ =	sdelay $0x1  }
0x99: {  	s19 =	simm.s32 $_scs_section_size  }
0x9a: {  	s4 =	simm.s32 $_size__tile_overlayer_lowered;
	s5 =	simm.s32 $_tile_overlayer_lowered  }
0x9b: {  	s22 =	simm.s32 $0x1BFF;
	s21 =	sshll.u32 s5, $0x1;
	s2 =	sadd.s32 s19, s18  }
0x9c: {  	s6 =	simm.s32 $0x0;
	s20 =	sshll.u32 s4, $0x1;
	s4 =	sadd.s32 s21, s2  }
0x9d: {  	[timem:s6], [sflag:s22] =	dma.local [hbm:s4], s20  }
0x9e: {  	_ =	swait.ge [sflag:s22], s20  }
0x9f: {  	s3 =	ssub.s32 $0x0, s20;
	[sflag:s22] =	ssyncset.done $0x0  }
0xa0: {  	[sflag:s22] =	ssyncadd.s32 s3;
	_ =	sdelay $0x1  }
0xa1: {  	s23 =	simm.s32 $0x1B8B  }
0xa2: {  	_ =	swait.ge [sflag:s23], $0x1  }
0xa3: {  	[sflag:s23] =	ssyncset.done $0x0  }
0xa4: {  	s25 =	simm.s32 $0x1B8E;
	s24 =	sld [smem:$0x3FFE];
	[sflag:s23] =	ssyncadd.s32 $0xFFFFFFFF  }
0xa5: {  	s26 =	simm.s32 $execute0_lowered;
	[smem:$0x3FD2] =	sst s25  }
0xa6: {  	s4 =	sshll.u32 s26, $0x1;
	_ =	strace $0x8000004C;
	[dreg:$0x1] =	wrdreg $0xFFFFFFFF  }
0xa7: {  	s28 =	simm.s32 $_size_execute0_lowered;
	s2 =	sadd.s32 s2, s4;
	[dreg:$0x0] =	wrdreg $0x0  }
0xa8: {  	s4 =	sshll.u32 s28, $0x1;
	[dreg:$0x2] =	wrdreg s2  }
0xa9: {  	[dreg:$0x3] =	wrdreg s4  }
0xaa: {  	[dreg:$0x4] =	wrdreg $0xC0  }
0xab: {  	_ =	task [dreg:s6], $0x5FFFF  }
0xac: {  	[dreg:$0x1] =	wrdreg $0xFFFFFFFF  }
0xad: {  	[dreg:$0x0] =	wrdreg $0x60  }
0xae: {  	[dreg:$0x2] =	wrdreg s24  }
0xaf: {  	[dreg:$0x3] =	wrdreg $0x41000  }
0xb0: {  	[dreg:$0x4] =	wrdreg $0x9  }
0xb1: {  	_ =	task.clear_ibuf [dreg:s6], $0x5FFFF;
	_ =	strace $0x9000004C  }
0xb2: {  	s29 =	simm.s32 $0x9;
	_ =	strace $0x8000004E  }
0xb3: {  	_ =	swait.ge [sflag:s29], $0x1  }
0xb4: {  	[sflag:s29] =	ssyncadd.s32 $0xFFFFFFFF  }
0xb5: {  	_ =	strace $0x9000004E  }
0xb6: {  	_ =	sfence  }
0xb7: {  	s30 =	sld [smem:$0x0];
	_ =	sdelay $0x2  }
0xb8: {  	s31 =	sshll.u32 s1, $0xD;
	s1 =	sshrl.u32 s1, $0x2  }
0xb9: {  	s3 =	sand.u32 $0x4000, s31;
	s1 =	sadd.s32 s1, s30  }
0xba: {  	s0 =	sor.u32 s3, s0;
	s1 =	sshll.u32 s1, $0x11  }
0xbb: {  	s0 =	sor.u32 s1, s0  }
0xbc: {  	s0 =	sadd.s32 $0x8F2B, s0  }
0xbd: {  	[sflag:s0] =	ssyncadd.remote.s32 $0x1  }
0xbe: {  	_ =	sfence.sel $0xFFFF  }
0xbf: {  	[dreg:$0x0] =	wrdreg $0xFFFFFFFF;
	(pc) =	sbr.abs _section_cstart, $3  }
0xc0: {  	[dreg:$0x1] =	wrdreg $0xFFFFFFFF  }
0xc1: {  	_ =	task.clear_ibuf [dreg:s6], $0x2FFFF;
	_ =	strace $0x9FFFFFFF  }
0xc2: {  	(tm) =	ssettm $0x7FFFFFFF  }
0xc3: {  	_ =	shalt  }
tec
execute0_lowered:
.L_overlay_start_1:
0x0: {  	(tag) =	ssettag $0x1  }
0x1: {  	s5 =	rddreg [dreg:$0x0]  }
0x2: {  	s0 =	srdreg.scid;
	s1 =	stileid.u32  }
0x3: {  	s2 =	rddreg [dreg:$0x1];
	s8 =	smul.u32 $0x13C00, s1  }
0x4: {  	s3 =	simm.s32 $0x0;
	s13 =	simm.s32 $0x100;
	s11 =	smul.u32 $0x4F000, s1  }
0x5: {  	s6 =	sand.u32 $0x1, s0;
	s0 =	rddreg [dreg:$0x2];
	s30 =	smul.u32 $0x13A0, s1  }
0x6: {  	s14 =	simm.s32 $0x0;
	[smem:$0x7FF] =	sst s3;
	s7 =	smul.u32 $0x13A00, s6  }
0x7: {  	s4 =	sadd.s32 $0x2D400, s5;
	s29 =	sshll.u32 s1, $0x6;
	s9 =	smul.u32 $0x13C000, s6  }
0x8: {  	_ =	strace $0x8000004D;
	s6 =	ssub.s32 $0x2, s6;
	s25 =	sshrl.u32 s8, $0x3  }
0x9: {  	s26 =	sshrl.u32 s6, $0x1;
	s28 =	sshrl.u32 s11, $0x2;
	s11 =	simm.s32 $0x1  }
0xa: {  	s10 =	sadd.s32 s7, s5;
	s8 =	sadd.s32 s8, s9;
	s7 =	sadd.s32 s25, s5  }
0xb: {  	s9 =	ssub.s32 s6, s26;
	s12 =	sadd.s32 s28, s2;
	s6 =	sor.u32 $0x1C01, s29  }
0xc: {  	s8 =	sshrl.u32 s8, $0x3;
	s31 =	sadd.s32 s30, s10;
	s10 =	sshrl.u32 s12, $0x3  }
0xd: {  	s12 =	simm.s32 $0x80;
	s8 =	sadd.s32 s8, s5;
	s5 =	sadd.s32 $0x7B600, s7  }
0xe: {  	s7 =	sadd.s32 $0xA2E00, s8;
	s8 =	smax.u32 s9, $0x1;
	s9 =	sadd.s32 $0x6000, s31  }
.LBB2_1:
0xf: {  	[spmem:s10], [sflag:s6] =	dma.local [hbm:s5], $0x2780  }
0x10: {  	_ =	swait.ge [sflag:s11], $0x2780  }
0x11: {  	[sflag:s11] =	ssyncset.done $0x0  }
0x12: {  	[sflag:s11] =	ssyncadd.s32 $0xFFFFD880  }
0x13: {  	s15 =	sadd.s32 $0x0, s9;
	[bflag:$0x0] =	sbarrier.arrive $0xFFFF  }
0x14: {  	[tilespmem:s3], [sflag:$0x1] =	stream.linear.gather [hbm4b:s15+s3], $0x100, $0x38;
	[tilespmem:$0x17D00] =	vst v63  }
0x15: {  	_ =	swait.ge [sflag:s11], $0x100  }
0x16: {  	[sflag:s11] =	ssyncset.done $0x0  }
0x17: {  	[sflag:s11] =	ssyncadd.s32 $0xFFFFFF00  }
0x18: {  	[tilespmem:s13], [sflag:$0x1] =	stream.indirect.gather [hbm4b:s4+s12], $0x80, s3, s12, $0xb8;
	[tilespmem:$0x17D00] =	vst v63  }
0x19: {  	_ =	swait.ge [sflag:s11], $0x4000  }
0x1a: {  	[sflag:s11] =	ssyncset.done $0x0  }
0x1b: {  	[sflag:s11] =	ssyncadd.s32 $0xFFFFC000  }
0x1c: {  	[spmem:s2] =	stream.indirect.scatter.add.f32 [tilespmem:s13], [sflag:$0x1], $0x80, s12, s12, $0xb8;
	[tilespmem:$0x17D00] =	vst v63  }
0x1d: {  	_ =	swait.ge [sflag:s11], $0x4000  }
0x1e: {  	s16 =	simm.s32 $0x40;
	s15 =	simm.s32 $0x20;
	[sflag:s11] =	ssyncset.done $0x0  }
.LBB2_2:
0x1f: {  	s17 =	sadd.s32 s15, s9  }
0x20: {  	[sflag:s11] =	ssyncadd.s32 $0xFFFFC000;
	s15 =	smov.u32 s16;
	s18 =	sadd.s32 $0x20, s16  }
0x21: {  	[tilespmem:s3], [sflag:$0x1] =	stream.linear.gather [hbm4b:s17+s3], $0x100, $0x38;
	[tilespmem:$0x17D00] =	vst v63  }
0x22: {  	p0 =	sne.s32 s16, $0x1380;
	_ =	swait.ge [sflag:s11], $0x100  }
0x23: {  	[sflag:s11] =	ssyncset.done $0x0  }
0x24: {  	[sflag:s11] =	ssyncadd.s32 $0xFFFFFF00  }
0x25: {  	[tilespmem:s13], [sflag:$0x1] =	stream.indirect.gather [hbm4b:s4+s12], $0x80, s3, s12, $0xb8;
	[tilespmem:$0x17D00] =	vst v63  }
0x26: {  	_ =	swait.ge [sflag:s11], $0x4000  }
.Ltmp0:
0x27: {  	[sflag:s11] =	ssyncset.done $0x0;
	(pc) =	sbr.rel @p0 .LBB2_2-.Ltmp0, $4  }
0x28: {  	[sflag:s11] =	ssyncadd.s32 $0xFFFFC000  }
0x29: {  	[spmem:s2] =	stream.indirect.scatter.add.f32 [tilespmem:s13], [sflag:$0x1], $0x80, s12, s12, $0xb8;
	[tilespmem:$0x17D00] =	vst v63  }
0x2a: {  	_ =	swait.ge [sflag:s11], $0x4000  }
0x2b: {  	s16 =	smov.u32 s18;
	[sflag:s11] =	ssyncset.done $0x0  }
0x2c: {  	s15 =	sadd.s32 s15, s9;
	[sflag:s11] =	ssyncadd.s32 $0xFFFFC000  }
0x2d: {  	[tilespmem:s3], [sflag:$0x1] =	stream.linear.gather [hbm4b:s15+s3], $0x100, $0x38;
	[tilespmem:$0x17D00] =	vst v63  }
0x2e: {  	_ =	swait.ge [sflag:s11], $0x100  }
0x2f: {  	[sflag:s11] =	ssyncset.done $0x0  }
0x30: {  	[sflag:s11] =	ssyncadd.s32 $0xFFFFFF00  }
0x31: {  	[tilespmem:s13], [sflag:$0x1] =	stream.indirect.gather [hbm4b:s4+s12], $0x80, s3, s12, $0xb8;
	[tilespmem:$0x17D00] =	vst v63  }
0x32: {  	_ =	swait.ge [sflag:s11], $0x4000  }
0x33: {  	[sflag:s11] =	ssyncset.done $0x0  }
0x34: {  	[sflag:s11] =	ssyncadd.s32 $0xFFFFC000  }
0x35: {  	[spmem:s2] =	stream.indirect.scatter.add.f32 [tilespmem:s13], [sflag:$0x1], $0x80, s12, s12, $0xb8;
	[tilespmem:$0x17D00] =	vst v63  }
0x36: {  	_ =	swait.ge [sflag:s11], $0x4000  }
0x37: {  	s14 =	sadd.s32 $0x1, s14;
	[sflag:s11] =	ssyncset.done $0x0  }
0x38: {  	p0 =	sne.s32 s14, s8;
	[sflag:s11] =	ssyncadd.s32 $0xFFFFC000  }
.Ltmp1:
0x39: {  	[bflag:$0x0] =	sbarrier.arrive $0xFFFF;
	(pc) =	sbr.rel @p0 .LBB2_1-.Ltmp1, $4  }
0x3a: {  	[hbm:s7], [sflag:s6] =	dma.local [spmem:s10], $0x2780  }
0x3b: {  	_ =	swait.ge [sflag:s11], $0x2780  }
0x3c: {  	[sflag:s11] =	ssyncset.done $0x0  }
0x3d: {  	[sflag:s11] =	ssyncadd.s32 $0xFFFFD880  }
0x3e: {  	_ =	sfence.sel $0x180000  }
0x3f: {  	[bflag:$0x0] =	sbarrier.arrive $0xFFFF  }
0x40: {  	p0 =	sne.s32 s1, $0x0;
	_ =	strace $0x9000004D  }
0x41: {  	s0 =	sadd.s32 @!p0 $0x100000, s0;
	[bflag:$0x2] =	sbarrier.arrive $0xFFFF  }
0x42: {  	[sflag:s0] =	ssyncadd.tile.s32 @!p0 $0x1;
	_ =	shalt  }
.Lfunc_end2:
_tile_overlayer_lowered:
.L_overlay_start_2:
0x43: {  	(tag) =	ssettag $0x2  }
0x44: {  	s0 =	rddreg [dreg:$0x0];
	s2 =	stileid.u32  }
0x45: {  	s1 =	rddreg [dreg:$0x1];
	p0 =	sne.s32 s2, $0x0  }
0x46: {  	s3 =	rddreg [dreg:$0x2];
	[bflag:$0x3] =	sbarrier.arrive $0xFFFF;
	s2 =	simm.s32 @!p0 $0x1C01  }
0x47: {  	[timem:s3], [sflag:s2] =	dma.local @!p0 [hbm:s0], s1  }
0x48: {  	s0 =	simm.s32 @!p0 $0x1  }
0x49: {  	_ =	swait.ge @!p0 [sflag:s0], s1  }
0x4a: {  	s1 =	ssub.s32 @!p0 $0x0, s1;
	[sflag:s0] =	ssyncset.done @!p0 $0x0  }
0x4b: {  	[sflag:s0] =	ssyncadd.s32 @!p0 s1  }
0x4c: {  	[bflag:$0x3] =	sbarrier.arrive $0xFFFF  }
0x4d: {  	_ =	shalt  }

// kernel: kernel.21.cloned.1.call-start
scs
__scs_entry_jumppad:
0x0: {  	(pc) =	sbr.rel $0x88, $3  }
0x1: {  	(tag) =	ssettag $0x0;
	lr =	simm.s32 $0x1  }
0x2: {  	[smem:$0x3F85] =	sst lr;
	_ =	strace $0xD0000000  }
0x3: {  	_ = 	snop  }
0x4: {  	_ = 	snop  }
0x5: {  	_ = 	snop  }
0x6: {  	_ = 	snop  }
0x7: {  	_ = 	snop  }
__scs_overlays_trampoline_lowered:
0x8: {  	[smem:$0x3F94] =	sst s0  }
0x9: {  	[smem:$0x3F95] =	sst s1  }
0xa: {  	[smem:$0x3F96] =	sst s2  }
0xb: {  	[smem:$0x3F97] =	sst s3  }
0xc: {  	[smem:$0x3F98] =	sst s4  }
0xd: {  	[smem:$0x3F99] =	sst s5  }
0xe: {  	[smem:$0x3F9A] =	sst s6  }
0xf: {  	[smem:$0x3F9B] =	sst s7  }
0x10: {  	[smem:$0x3F9C] =	sst s8  }
0x11: {  	[smem:$0x3F9D] =	sst s9;
	s0 =	simm.s32 @!p0 $0x0  }
0x12: {  	s1 =	sld [smem:$0x3F83];
	s0 =	simm.s32 @p0 $0x1  }
0x13: {  	[smem:$0x3F9E] =	sst s0;
	s0 =	simm.s32 @!p1 $0x0  }
0x14: {  	s2 =	sld [smem:$0x3F82];
	s0 =	simm.s32 @p1 $0x1  }
0x15: {  	[smem:$0x3F9F] =	sst s0;
	s0 =	simm.s32 @!p2 $0x0  }
0x16: {  	s3 =	sld [smem:$0x3FDB];
	s0 =	simm.s32 @p2 $0x1  }
0x17: {  	s4 =	simm.s32 $0x1BF5;
	[smem:$0x3FA1] =	sst s0  }
0x18: {  	s0 =	sld [smem:$0x3F84];
	_ =	swait.ge [sflag:s4], $0x0  }
0x19: {  	s7 =	sld [smem:$0x3F85]  }
0x1a: {  	s8 =	sadd.s32 $0xFFFFE003, lr  }
0x1b: {  	s9 =	sadd.s32 $0xFFFFFEF7, lr;
	s5 =	simm.s32 $0xFFFFFFFF;
	p2 =	slt.u32 s8, $0xFFFFF086  }
0x1c: {  	p1 =	slt.u32 s9, $0xF7A;
	s5 =	simm.s32 @!p2 $0x0  }
0x1d: {  	s5 =	simm.s32 @p1 $0x1;
	p0 =	seq.s32 s7, s2  }
0x1e: {  	s7 =	smul.u32 @!p0 $0xF7A, s2;
	p2 =	seq.s32 @!p0 s5, $0x0  }
0x1f: {  	s9 =	smul.u32 $0xF7A, s1;
	s8 =	simm.s32 @!p0 $0x1BF5;
	p2 =	por !p2, p0  }
0x20: {  	[sflag:s8] =	ssyncset.s32 @!p0 $0xFFFFF086;
	s6 =	sadd.s32 @!p0 s3, s7;
	s7 =	simm.s32 @!p0 $0x108  }
0x21: {  	s3 =	sadd.s32 s3, s9;
	s6 =	sadd.s32 @!p0 $0x88, s6;
	s7 =	simm.s32 @p2 $0x1082  }
0x22: {  	[simem:s7], [sflag:s8] =	dma.local @!p0 [hbm:s6], $0xF7A  }
0x23: {  	s9 =	sor.u32 $0xD0000000, s2;
	s6 =	simm.s32 $0x108;
	_ =	swait.ge @!p0 [sflag:s8], $0x0  }
0x24: {  	s3 =	sadd.s32 $0x88, s3;
	s6 =	simm.s32 @!p1 $0x1082;
	[sflag:s4] =	ssyncset.s32 $0xFFFFF086  }
0x25: {  	[simem:s6], [sflag:s4] =	dma.local [hbm:s3], $0xF7A  }
0x26: {  	[smem:$0x3F85] =	sst s1;
	(tag) =	ssettag s2;
	_ =	strace s9  }
0x27: {  	s1 =	sld [smem:$0x3F95]  }
0x28: {  	s2 =	sld [smem:$0x3F96]  }
0x29: {  	s4 =	sld [smem:$0x3F98]  }
0x2a: {  	p0 =	seq.s32 s5, $0x0;
	s5 =	sld [smem:$0x3F99]  }
0x2b: {  	s6 =	sld [smem:$0x3F9A]  }
0x2c: {  	s7 =	sld [smem:$0x3F9B]  }
0x2d: {  	s3 =	simm.s32 $0x108;
	s8 =	sld [smem:$0x3F9C]  }
0x2e: {  	s3 =	simm.s32 @!p0 $0x1082;
	s9 =	sld [smem:$0x3F9D]  }
0x2f: {  	lr =	sadd.s32 s0, s3;
	s0 =	sld [smem:$0x3F94]  }
0x30: {  	s3 =	sld [smem:$0x3F97]  }
0x31: {  	[smem:$0x3FA0] =	sst s10  }
0x32: {  	s10 =	sld [smem:$0x3F9E];
	_ =	sdelay $0x3  }
0x33: {  	p0 =	seq.s32 s10, $0x1;
	s10 =	sld [smem:$0x3FA0];
	_ =	sdelay $0x3  }
0x34: {  	[smem:$0x3FA0] =	sst s10  }
0x35: {  	s10 =	sld [smem:$0x3F9F];
	_ =	sdelay $0x3  }
0x36: {  	p1 =	seq.s32 s10, $0x1;
	s10 =	sld [smem:$0x3FA0];
	_ =	sdelay $0x3  }
0x37: {  	[smem:$0x3FA0] =	sst s10  }
0x38: {  	s10 =	sld [smem:$0x3FA1]  }
0x39: {  	_ = 	snop;
	(pc) =	sbr.ind lr, $3  }
0x3a: {  	_ = 	snop  }
0x3b: {  	_ = 	snop  }
0x3c: {  	p2 =	seq.s32 s10, $0x1;
	s10 =	sld [smem:$0x3FA0]  }
0x3d: {  	_ =	shalt  }
0x3e: {  	_ =	shalt  }
0x3f: {  	_ =	shalt  }
0x40: {  	_ =	shalt  }
0x41: {  	_ =	shalt  }
0x42: {  	_ =	shalt  }
0x43: {  	_ =	shalt  }
0x44: {  	_ =	shalt  }
0x45: {  	_ =	shalt  }
0x46: {  	_ =	shalt  }
0x47: {  	_ =	shalt  }
0x48: {  	_ =	shalt  }
0x49: {  	_ =	shalt  }
0x4a: {  	_ =	shalt  }
0x4b: {  	_ =	shalt  }
0x4c: {  	_ =	shalt  }
0x4d: {  	_ =	shalt  }
0x4e: {  	_ =	shalt  }
0x4f: {  	_ =	shalt  }
0x50: {  	_ =	shalt  }
0x51: {  	_ =	shalt  }
0x52: {  	_ =	shalt  }
0x53: {  	_ =	shalt  }
0x54: {  	_ =	shalt  }
0x55: {  	_ =	shalt  }
0x56: {  	_ =	shalt  }
0x57: {  	_ =	shalt  }
0x58: {  	_ =	shalt  }
0x59: {  	_ =	shalt  }
0x5a: {  	_ =	shalt  }
0x5b: {  	_ =	shalt  }
0x5c: {  	_ =	shalt  }
0x5d: {  	_ =	shalt  }
0x5e: {  	_ =	shalt  }
0x5f: {  	_ =	shalt  }
0x60: {  	_ =	shalt  }
0x61: {  	_ =	shalt  }
0x62: {  	_ =	shalt  }
0x63: {  	_ =	shalt  }
0x64: {  	_ =	shalt  }
0x65: {  	_ =	shalt  }
0x66: {  	_ =	shalt  }
0x67: {  	_ =	shalt  }
0x68: {  	_ =	shalt  }
0x69: {  	_ =	shalt  }
0x6a: {  	_ =	shalt  }
0x6b: {  	_ =	shalt  }
0x6c: {  	_ =	shalt  }
0x6d: {  	_ =	shalt  }
0x6e: {  	_ =	shalt  }
0x6f: {  	_ =	shalt  }
0x70: {  	_ =	shalt  }
0x71: {  	_ =	shalt  }
0x72: {  	_ =	shalt  }
0x73: {  	_ =	shalt  }
0x74: {  	_ =	shalt  }
0x75: {  	_ =	shalt  }
0x76: {  	_ =	shalt  }
0x77: {  	_ =	shalt  }
0x78: {  	_ =	shalt  }
0x79: {  	_ =	shalt  }
0x7a: {  	_ =	shalt  }
0x7b: {  	_ =	shalt  }
0x7c: {  	_ =	shalt  }
0x7d: {  	_ =	shalt  }
0x7e: {  	_ =	shalt  }
0x7f: {  	_ =	shalt  }
0x80: {  	_ =	shalt  }
0x81: {  	_ =	shalt  }
0x82: {  	_ =	shalt  }
0x83: {  	_ =	shalt  }
0x84: {  	_ =	shalt  }
0x85: {  	_ =	shalt  }
0x86: {  	_ =	shalt  }
0x87: {  	_ =	shalt  }
.Lfunc_end0:
.L_simem_size_0:
called_computation.3_lowered:
.L_overlay_start_0:
0x88: {  	s2 =	sld [smem:$0x3FD9]  }
0x89: {  	s3 =	sld [smem:$0x3FFE];
	_ =	sdelay $0x1  }
0x8a: {  	s1 =	srdreg.scid  }
0x8b: {  	s0 =	sand.u32 $0x1, s1  }
0x8c: {  	s16 =	sshll.u32 s0, $0xA;
	s2 =	sadd.s32 s3, s2  }
0x8d: {  	s2 =	sadd.s32 s2, s16  }
0x8e: {  	[smem:$0x3FAC] =	sst s2  }
0x8f: {  	_ = 	snop  }
0x90: {  	(tm) =	ssettm $0x1  }
0x91: {  	s17 =	sld [smem:$0x3FFB];
	_ =	sdelay $0x3  }
0x92: {  	_ =	strace s17  }
0x93: {  	s2 =	sld [smem:$0x3FFC];
	_ =	sdelay $0x3  }
0x94: {  	_ =	strace s2  }
0x95: {  	s2 =	sld [smem:$0x3FFD];
	_ =	sdelay $0x3  }
0x96: {  	_ =	strace s2  }
0x97: {  	_ =	strace $0x8FFFFFFF  }
0x98: {  	s18 =	sld [smem:$0x3FDB];
	_ =	sdelay $0x1  }
0x99: {  	s19 =	simm.s32 $_scs_section_size  }
0x9a: {  	s4 =	simm.s32 $_size__tile_overlayer_lowered;
	s5 =	simm.s32 $_tile_overlayer_lowered  }
0x9b: {  	s22 =	simm.s32 $0x1BFF;
	s21 =	sshll.u32 s5, $0x1;
	s2 =	sadd.s32 s19, s18  }
0x9c: {  	s6 =	simm.s32 $0x0;
	s20 =	sshll.u32 s4, $0x1;
	s4 =	sadd.s32 s21, s2  }
0x9d: {  	[timem:s6], [sflag:s22] =	dma.local [hbm:s4], s20  }
0x9e: {  	_ =	swait.ge [sflag:s22], s20  }
0x9f: {  	s3 =	ssub.s32 $0x0, s20;
	[sflag:s22] =	ssyncset.done $0x0  }
0xa0: {  	[sflag:s22] =	ssyncadd.s32 s3;
	_ =	sdelay $0x1  }
0xa1: {  	s23 =	simm.s32 $0x1B8B  }
0xa2: {  	_ =	swait.ge [sflag:s23], $0x1  }
0xa3: {  	[sflag:s23] =	ssyncset.done $0x0  }
0xa4: {  	s25 =	simm.s32 $0x1B8E;
	s24 =	sld [smem:$0x3FFE];
	[sflag:s23] =	ssyncadd.s32 $0xFFFFFFFF  }
0xa5: {  	s26 =	simm.s32 $execute0_lowered;
	[smem:$0x3FD2] =	sst s25  }
0xa6: {  	s4 =	sshll.u32 s26, $0x1;
	_ =	strace $0x8000004F;
	[dreg:$0x1] =	wrdreg $0xFFFFFFFF  }
0xa7: {  	s28 =	simm.s32 $_size_execute0_lowered;
	s2 =	sadd.s32 s2, s4;
	[dreg:$0x0] =	wrdreg $0x0  }
0xa8: {  	s4 =	sshll.u32 s28, $0x1;
	[dreg:$0x2] =	wrdreg s2  }
0xa9: {  	[dreg:$0x3] =	wrdreg s4  }
0xaa: {  	[dreg:$0x4] =	wrdreg $0xC0  }
0xab: {  	_ =	task [dreg:s6], $0x5FFFF  }
0xac: {  	[dreg:$0x1] =	wrdreg $0xFFFFFFFF  }
0xad: {  	[dreg:$0x0] =	wrdreg $0x60  }
0xae: {  	[dreg:$0x2] =	wrdreg s24  }
0xaf: {  	[dreg:$0x3] =	wrdreg $0x41000  }
0xb0: {  	[dreg:$0x4] =	wrdreg $0x9  }
0xb1: {  	_ =	task.clear_ibuf [dreg:s6], $0x5FFFF;
	_ =	strace $0x9000004F  }
0xb2: {  	s29 =	simm.s32 $0x9;
	_ =	strace $0x80000051  }
0xb3: {  	_ =	swait.ge [sflag:s29], $0x1  }
0xb4: {  	[sflag:s29] =	ssyncadd.s32 $0xFFFFFFFF  }
0xb5: {  	_ =	strace $0x90000051  }
0xb6: {  	_ =	sfence  }
0xb7: {  	s30 =	sld [smem:$0x0];
	_ =	sdelay $0x2  }
0xb8: {  	s31 =	sshll.u32 s1, $0xD;
	s1 =	sshrl.u32 s1, $0x2  }
0xb9: {  	s3 =	sand.u32 $0x4000, s31;
	s1 =	sadd.s32 s1, s30  }
0xba: {  	s0 =	sor.u32 s3, s0;
	s1 =	sshll.u32 s1, $0x11  }
0xbb: {  	s0 =	sor.u32 s1, s0  }
0xbc: {  	s0 =	sadd.s32 $0x8F2B, s0  }
0xbd: {  	[sflag:s0] =	ssyncadd.remote.s32 $0x1  }
0xbe: {  	_ =	sfence.sel $0xFFFF  }
0xbf: {  	[dreg:$0x0] =	wrdreg $0xFFFFFFFF;
	(pc) =	sbr.abs _section_cstart, $3  }
0xc0: {  	[dreg:$0x1] =	wrdreg $0xFFFFFFFF  }
0xc1: {  	_ =	task.clear_ibuf [dreg:s6], $0x2FFFF;
	_ =	strace $0x9FFFFFFF  }
0xc2: {  	(tm) =	ssettm $0x7FFFFFFF  }
0xc3: {  	_ =	shalt  }
tec
execute0_lowered:
.L_overlay_start_1:
0x0: {  	(tag) =	ssettag $0x1  }
0x1: {  	s5 =	rddreg [dreg:$0x0]  }
0x2: {  	s0 =	srdreg.scid;
	s1 =	stileid.u32  }
0x3: {  	s2 =	rddreg [dreg:$0x1];
	s8 =	smul.u32 $0x13C00, s1  }
0x4: {  	s3 =	simm.s32 $0x0;
	s13 =	simm.s32 $0x100;
	s11 =	smul.u32 $0x4F000, s1  }
0x5: {  	s6 =	sand.u32 $0x1, s0;
	s0 =	rddreg [dreg:$0x2];
	s30 =	smul.u32 $0x13A0, s1  }
0x6: {  	s14 =	simm.s32 $0x0;
	[smem:$0x7FF] =	sst s3;
	s7 =	smul.u32 $0x13A00, s6  }
0x7: {  	s4 =	sadd.s32 $0x2D400, s5;
	s29 =	sshll.u32 s1, $0x6;
	s9 =	smul.u32 $0x13C000, s6  }
0x8: {  	_ =	strace $0x80000050;
	s6 =	ssub.s32 $0x2, s6;
	s25 =	sshrl.u32 s8, $0x3  }
0x9: {  	s26 =	sshrl.u32 s6, $0x1;
	s28 =	sshrl.u32 s11, $0x2;
	s11 =	simm.s32 $0x1  }
0xa: {  	s10 =	sadd.s32 s7, s5;
	s8 =	sadd.s32 s8, s9;
	s7 =	sadd.s32 s25, s5  }
0xb: {  	s9 =	ssub.s32 s6, s26;
	s12 =	sadd.s32 s28, s2;
	s6 =	sor.u32 $0x1C01, s29  }
0xc: {  	s8 =	sshrl.u32 s8, $0x3;
	s31 =	sadd.s32 s30, s10;
	s10 =	sshrl.u32 s12, $0x3  }
0xd: {  	s12 =	simm.s32 $0x80;
	s8 =	sadd.s32 s8, s5;
	s5 =	sadd.s32 $0x7B600, s7  }
0xe: {  	s7 =	sadd.s32 $0xA2E00, s8;
	s8 =	smax.u32 s9, $0x1;
	s9 =	sadd.s32 $0x6000, s31  }
.LBB2_1:
0xf: {  	[spmem:s10], [sflag:s6] =	dma.local [hbm:s5], $0x2780  }
0x10: {  	_ =	swait.ge [sflag:s11], $0x2780  }
0x11: {  	[sflag:s11] =	ssyncset.done $0x0  }
0x12: {  	[sflag:s11] =	ssyncadd.s32 $0xFFFFD880  }
0x13: {  	s15 =	sadd.s32 $0x0, s9;
	[bflag:$0x0] =	sbarrier.arrive $0xFFFF  }
0x14: {  	[tilespmem:s3], [sflag:$0x1] =	stream.linear.gather [hbm4b:s15+s3], $0x100, $0x38;
	[tilespmem:$0x17D00] =	vst v63  }
0x15: {  	_ =	swait.ge [sflag:s11], $0x100  }
0x16: {  	[sflag:s11] =	ssyncset.done $0x0  }
0x17: {  	[sflag:s11] =	ssyncadd.s32 $0xFFFFFF00  }
0x18: {  	[tilespmem:s13], [sflag:$0x1] =	stream.indirect.gather [hbm4b:s4+s12], $0x80, s3, s12, $0xb8;
	[tilespmem:$0x17D00] =	vst v63  }
0x19: {  	_ =	swait.ge [sflag:s11], $0x4000  }
0x1a: {  	[sflag:s11] =	ssyncset.done $0x0  }
0x1b: {  	[sflag:s11] =	ssyncadd.s32 $0xFFFFC000  }
0x1c: {  	[spmem:s2] =	stream.indirect.scatter.add.f32 [tilespmem:s13], [sflag:$0x1], $0x80, s12, s12, $0xb8;
	[tilespmem:$0x17D00] =	vst v63  }
0x1d: {  	_ =	swait.ge [sflag:s11], $0x4000  }
0x1e: {  	s16 =	simm.s32 $0x40;
	s15 =	simm.s32 $0x20;
	[sflag:s11] =	ssyncset.done $0x0  }
.LBB2_2:
0x1f: {  	s17 =	sadd.s32 s15, s9  }
0x20: {  	[sflag:s11] =	ssyncadd.s32 $0xFFFFC000;
	s15 =	smov.u32 s16;
	s18 =	sadd.s32 $0x20, s16  }
0x21: {  	[tilespmem:s3], [sflag:$0x1] =	stream.linear.gather [hbm4b:s17+s3], $0x100, $0x38;
	[tilespmem:$0x17D00] =	vst v63  }
0x22: {  	p0 =	sne.s32 s16, $0x1380;
	_ =	swait.ge [sflag:s11], $0x100  }
0x23: {  	[sflag:s11] =	ssyncset.done $0x0  }
0x24: {  	[sflag:s11] =	ssyncadd.s32 $0xFFFFFF00  }
0x25: {  	[tilespmem:s13], [sflag:$0x1] =	stream.indirect.gather [hbm4b:s4+s12], $0x80, s3, s12, $0xb8;
	[tilespmem:$0x17D00] =	vst v63  }
0x26: {  	_ =	swait.ge [sflag:s11], $0x4000  }
.Ltmp0:
0x27: {  	[sflag:s11] =	ssyncset.done $0x0;
	(pc) =	sbr.rel @p0 .LBB2_2-.Ltmp0, $4  }
0x28: {  	[sflag:s11] =	ssyncadd.s32 $0xFFFFC000  }
0x29: {  	[spmem:s2] =	stream.indirect.scatter.add.f32 [tilespmem:s13], [sflag:$0x1], $0x80, s12, s12, $0xb8;
	[tilespmem:$0x17D00] =	vst v63  }
0x2a: {  	_ =	swait.ge [sflag:s11], $0x4000  }
0x2b: {  	s16 =	smov.u32 s18;
	[sflag:s11] =	ssyncset.done $0x0  }
0x2c: {  	s15 =	sadd.s32 s15, s9;
	[sflag:s11] =	ssyncadd.s32 $0xFFFFC000  }
0x2d: {  	[tilespmem:s3], [sflag:$0x1] =	stream.linear.gather [hbm4b:s15+s3], $0x100, $0x38;
	[tilespmem:$0x17D00] =	vst v63  }
0x2e: {  	_ =	swait.ge [sflag:s11], $0x100  }
0x2f: {  	[sflag:s11] =	ssyncset.done $0x0  }
0x30: {  	[sflag:s11] =	ssyncadd.s32 $0xFFFFFF00  }
0x31: {  	[tilespmem:s13], [sflag:$0x1] =	stream.indirect.gather [hbm4b:s4+s12], $0x80, s3, s12, $0xb8;
	[tilespmem:$0x17D00] =	vst v63  }
0x32: {  	_ =	swait.ge [sflag:s11], $0x4000  }
0x33: {  	[sflag:s11] =	ssyncset.done $0x0  }
0x34: {  	[sflag:s11] =	ssyncadd.s32 $0xFFFFC000  }
0x35: {  	[spmem:s2] =	stream.indirect.scatter.add.f32 [tilespmem:s13], [sflag:$0x1], $0x80, s12, s12, $0xb8;
	[tilespmem:$0x17D00] =	vst v63  }
0x36: {  	_ =	swait.ge [sflag:s11], $0x4000  }
0x37: {  	s14 =	sadd.s32 $0x1, s14;
	[sflag:s11] =	ssyncset.done $0x0  }
0x38: {  	p0 =	sne.s32 s14, s8;
	[sflag:s11] =	ssyncadd.s32 $0xFFFFC000  }
.Ltmp1:
0x39: {  	[bflag:$0x0] =	sbarrier.arrive $0xFFFF;
	(pc) =	sbr.rel @p0 .LBB2_1-.Ltmp1, $4  }
0x3a: {  	[hbm:s7], [sflag:s6] =	dma.local [spmem:s10], $0x2780  }
0x3b: {  	_ =	swait.ge [sflag:s11], $0x2780  }
0x3c: {  	[sflag:s11] =	ssyncset.done $0x0  }
0x3d: {  	[sflag:s11] =	ssyncadd.s32 $0xFFFFD880  }
0x3e: {  	_ =	sfence.sel $0x180000  }
0x3f: {  	[bflag:$0x0] =	sbarrier.arrive $0xFFFF  }
0x40: {  	p0 =	sne.s32 s1, $0x0;
	_ =	strace $0x90000050  }
0x41: {  	s0 =	sadd.s32 @!p0 $0x100000, s0;
	[bflag:$0x2] =	sbarrier.arrive $0xFFFF  }
0x42: {  	[sflag:s0] =	ssyncadd.tile.s32 @!p0 $0x1;
	_ =	shalt  }
.Lfunc_end2:
_tile_overlayer_lowered:
.L_overlay_start_2:
0x43: {  	(tag) =	ssettag $0x2  }
0x44: {  	s0 =	rddreg [dreg:$0x0];
	s2 =	stileid.u32  }
0x45: {  	s1 =	rddreg [dreg:$0x1];
	p0 =	sne.s32 s2, $0x0  }
0x46: {  	s3 =	rddreg [dreg:$0x2];
	[bflag:$0x3] =	sbarrier.arrive $0xFFFF;
	s2 =	simm.s32 @!p0 $0x1C01  }
0x47: {  	[timem:s3], [sflag:s2] =	dma.local @!p0 [hbm:s0], s1  }
0x48: {  	s0 =	simm.s32 @!p0 $0x1  }
0x49: {  	_ =	swait.ge @!p0 [sflag:s0], s1  }
0x4a: {  	s1 =	ssub.s32 @!p0 $0x0, s1;
	[sflag:s0] =	ssyncset.done @!p0 $0x0  }
0x4b: {  	[sflag:s0] =	ssyncadd.s32 @!p0 s1  }
0x4c: {  	[bflag:$0x3] =	sbarrier.arrive $0xFFFF  }
0x4d: {  	_ =	shalt  }

// kernel: kernel.24.cloned.1.call-start
scs
__scs_entry_jumppad:
0x0: {  	(pc) =	sbr.rel $0x88, $3  }
0x1: {  	(tag) =	ssettag $0x0;
	lr =	simm.s32 $0x1  }
0x2: {  	[smem:$0x3F85] =	sst lr;
	_ =	strace $0xD0000000  }
0x3: {  	_ = 	snop  }
0x4: {  	_ = 	snop  }
0x5: {  	_ = 	snop  }
0x6: {  	_ = 	snop  }
0x7: {  	_ = 	snop  }
__scs_overlays_trampoline_lowered:
0x8: {  	[smem:$0x3F94] =	sst s0  }
0x9: {  	[smem:$0x3F95] =	sst s1  }
0xa: {  	[smem:$0x3F96] =	sst s2  }
0xb: {  	[smem:$0x3F97] =	sst s3  }
0xc: {  	[smem:$0x3F98] =	sst s4  }
0xd: {  	[smem:$0x3F99] =	sst s5  }
0xe: {  	[smem:$0x3F9A] =	sst s6  }
0xf: {  	[smem:$0x3F9B] =	sst s7  }
0x10: {  	[smem:$0x3F9C] =	sst s8  }
0x11: {  	[smem:$0x3F9D] =	sst s9;
	s0 =	simm.s32 @!p0 $0x0  }
0x12: {  	s1 =	sld [smem:$0x3F83];
	s0 =	simm.s32 @p0 $0x1  }
0x13: {  	[smem:$0x3F9E] =	sst s0;
	s0 =	simm.s32 @!p1 $0x0  }
0x14: {  	s2 =	sld [smem:$0x3F82];
	s0 =	simm.s32 @p1 $0x1  }
0x15: {  	[smem:$0x3F9F] =	sst s0;
	s0 =	simm.s32 @!p2 $0x0  }
0x16: {  	s3 =	sld [smem:$0x3FDB];
	s0 =	simm.s32 @p2 $0x1  }
0x17: {  	s4 =	simm.s32 $0x1BF5;
	[smem:$0x3FA1] =	sst s0  }
0x18: {  	s0 =	sld [smem:$0x3F84];
	_ =	swait.ge [sflag:s4], $0x0  }
0x19: {  	s7 =	sld [smem:$0x3F85]  }
0x1a: {  	s8 =	sadd.s32 $0xFFFFE003, lr  }
0x1b: {  	s9 =	sadd.s32 $0xFFFFFEF7, lr;
	s5 =	simm.s32 $0xFFFFFFFF;
	p2 =	slt.u32 s8, $0xFFFFF086  }
0x1c: {  	p1 =	slt.u32 s9, $0xF7A;
	s5 =	simm.s32 @!p2 $0x0  }
0x1d: {  	s5 =	simm.s32 @p1 $0x1;
	p0 =	seq.s32 s7, s2  }
0x1e: {  	s7 =	smul.u32 @!p0 $0xF7A, s2;
	p2 =	seq.s32 @!p0 s5, $0x0  }
0x1f: {  	s9 =	smul.u32 $0xF7A, s1;
	s8 =	simm.s32 @!p0 $0x1BF5;
	p2 =	por !p2, p0  }
0x20: {  	[sflag:s8] =	ssyncset.s32 @!p0 $0xFFFFF086;
	s6 =	sadd.s32 @!p0 s3, s7;
	s7 =	simm.s32 @!p0 $0x108  }
0x21: {  	s3 =	sadd.s32 s3, s9;
	s6 =	sadd.s32 @!p0 $0x88, s6;
	s7 =	simm.s32 @p2 $0x1082  }
0x22: {  	[simem:s7], [sflag:s8] =	dma.local @!p0 [hbm:s6], $0xF7A  }
0x23: {  	s9 =	sor.u32 $0xD0000000, s2;
	s6 =	simm.s32 $0x108;
	_ =	swait.ge @!p0 [sflag:s8], $0x0  }
0x24: {  	s3 =	sadd.s32 $0x88, s3;
	s6 =	simm.s32 @!p1 $0x1082;
	[sflag:s4] =	ssyncset.s32 $0xFFFFF086  }
0x25: {  	[simem:s6], [sflag:s4] =	dma.local [hbm:s3], $0xF7A  }
0x26: {  	[smem:$0x3F85] =	sst s1;
	(tag) =	ssettag s2;
	_ =	strace s9  }
0x27: {  	s1 =	sld [smem:$0x3F95]  }
0x28: {  	s2 =	sld [smem:$0x3F96]  }
0x29: {  	s4 =	sld [smem:$0x3F98]  }
0x2a: {  	p0 =	seq.s32 s5, $0x0;
	s5 =	sld [smem:$0x3F99]  }
0x2b: {  	s6 =	sld [smem:$0x3F9A]  }
0x2c: {  	s7 =	sld [smem:$0x3F9B]  }
0x2d: {  	s3 =	simm.s32 $0x108;
	s8 =	sld [smem:$0x3F9C]  }
0x2e: {  	s3 =	simm.s32 @!p0 $0x1082;
	s9 =	sld [smem:$0x3F9D]  }
0x2f: {  	lr =	sadd.s32 s0, s3;
	s0 =	sld [smem:$0x3F94]  }
0x30: {  	s3 =	sld [smem:$0x3F97]  }
0x31: {  	[smem:$0x3FA0] =	sst s10  }
0x32: {  	s10 =	sld [smem:$0x3F9E];
	_ =	sdelay $0x3  }
0x33: {  	p0 =	seq.s32 s10, $0x1;
	s10 =	sld [smem:$0x3FA0];
	_ =	sdelay $0x3  }
0x34: {  	[smem:$0x3FA0] =	sst s10  }
0x35: {  	s10 =	sld [smem:$0x3F9F];
	_ =	sdelay $0x3  }
0x36: {  	p1 =	seq.s32 s10, $0x1;
	s10 =	sld [smem:$0x3FA0];
	_ =	sdelay $0x3  }
0x37: {  	[smem:$0x3FA0] =	sst s10  }
0x38: {  	s10 =	sld [smem:$0x3FA1]  }
0x39: {  	_ = 	snop;
	(pc) =	sbr.ind lr, $3  }
0x3a: {  	_ = 	snop  }
0x3b: {  	_ = 	snop  }
0x3c: {  	p2 =	seq.s32 s10, $0x1;
	s10 =	sld [smem:$0x3FA0]  }
0x3d: {  	_ =	shalt  }
0x3e: {  	_ =	shalt  }
0x3f: {  	_ =	shalt  }
0x40: {  	_ =	shalt  }
0x41: {  	_ =	shalt  }
0x42: {  	_ =	shalt  }
0x43: {  	_ =	shalt  }
0x44: {  	_ =	shalt  }
0x45: {  	_ =	shalt  }
0x46: {  	_ =	shalt  }
0x47: {  	_ =	shalt  }
0x48: {  	_ =	shalt  }
0x49: {  	_ =	shalt  }
0x4a: {  	_ =	shalt  }
0x4b: {  	_ =	shalt  }
0x4c: {  	_ =	shalt  }
0x4d: {  	_ =	shalt  }
0x4e: {  	_ =	shalt  }
0x4f: {  	_ =	shalt  }
0x50: {  	_ =	shalt  }
0x51: {  	_ =	shalt  }
0x52: {  	_ =	shalt  }
0x53: {  	_ =	shalt  }
0x54: {  	_ =	shalt  }
0x55: {  	_ =	shalt  }
0x56: {  	_ =	shalt  }
0x57: {  	_ =	shalt  }
0x58: {  	_ =	shalt  }
0x59: {  	_ =	shalt  }
0x5a: {  	_ =	shalt  }
0x5b: {  	_ =	shalt  }
0x5c: {  	_ =	shalt  }
0x5d: {  	_ =	shalt  }
0x5e: {  	_ =	shalt  }
0x5f: {  	_ =	shalt  }
0x60: {  	_ =	shalt  }
0x61: {  	_ =	shalt  }
0x62: {  	_ =	shalt  }
0x63: {  	_ =	shalt  }
0x64: {  	_ =	shalt  }
0x65: {  	_ =	shalt  }
0x66: {  	_ =	shalt  }
0x67: {  	_ =	shalt  }
0x68: {  	_ =	shalt  }
0x69: {  	_ =	shalt  }
0x6a: {  	_ =	shalt  }
0x6b: {  	_ =	shalt  }
0x6c: {  	_ =	shalt  }
0x6d: {  	_ =	shalt  }
0x6e: {  	_ =	shalt  }
0x6f: {  	_ =	shalt  }
0x70: {  	_ =	shalt  }
0x71: {  	_ =	shalt  }
0x72: {  	_ =	shalt  }
0x73: {  	_ =	shalt  }
0x74: {  	_ =	shalt  }
0x75: {  	_ =	shalt  }
0x76: {  	_ =	shalt  }
0x77: {  	_ =	shalt  }
0x78: {  	_ =	shalt  }
0x79: {  	_ =	shalt  }
0x7a: {  	_ =	shalt  }
0x7b: {  	_ =	shalt  }
0x7c: {  	_ =	shalt  }
0x7d: {  	_ =	shalt  }
0x7e: {  	_ =	shalt  }
0x7f: {  	_ =	shalt  }
0x80: {  	_ =	shalt  }
0x81: {  	_ =	shalt  }
0x82: {  	_ =	shalt  }
0x83: {  	_ =	shalt  }
0x84: {  	_ =	shalt  }
0x85: {  	_ =	shalt  }
0x86: {  	_ =	shalt  }
0x87: {  	_ =	shalt  }
.Lfunc_end0:
.L_simem_size_0:
called_computation.4_lowered:
.L_overlay_start_0:
0x88: {  	s2 =	sld [smem:$0x3FD9]  }
0x89: {  	s3 =	sld [smem:$0x3FFE];
	_ =	sdelay $0x1  }
0x8a: {  	s1 =	srdreg.scid  }
0x8b: {  	s0 =	sand.u32 $0x1, s1  }
0x8c: {  	s16 =	sshll.u32 s0, $0xA;
	s2 =	sadd.s32 s3, s2  }
0x8d: {  	s2 =	sadd.s32 s2, s16  }
0x8e: {  	[smem:$0x3FAC] =	sst s2  }
0x8f: {  	_ = 	snop  }
0x90: {  	(tm) =	ssettm $0x1  }
0x91: {  	s17 =	sld [smem:$0x3FFB];
	_ =	sdelay $0x3  }
0x92: {  	_ =	strace s17  }
0x93: {  	s2 =	sld [smem:$0x3FFC];
	_ =	sdelay $0x3  }
0x94: {  	_ =	strace s2  }
0x95: {  	s2 =	sld [smem:$0x3FFD];
	_ =	sdelay $0x3  }
0x96: {  	_ =	strace s2  }
0x97: {  	_ =	strace $0x8FFFFFFF  }
0x98: {  	s18 =	sld [smem:$0x3FDB];
	_ =	sdelay $0x1  }
0x99: {  	s19 =	simm.s32 $_scs_section_size  }
0x9a: {  	s4 =	simm.s32 $_size__tile_overlayer_lowered;
	s5 =	simm.s32 $_tile_overlayer_lowered  }
0x9b: {  	s22 =	simm.s32 $0x1BFF;
	s21 =	sshll.u32 s5, $0x1;
	s2 =	sadd.s32 s19, s18  }
0x9c: {  	s6 =	simm.s32 $0x0;
	s20 =	sshll.u32 s4, $0x1;
	s4 =	sadd.s32 s21, s2  }
0x9d: {  	[timem:s6], [sflag:s22] =	dma.local [hbm:s4], s20  }
0x9e: {  	_ =	swait.ge [sflag:s22], s20  }
0x9f: {  	s3 =	ssub.s32 $0x0, s20;
	[sflag:s22] =	ssyncset.done $0x0  }
0xa0: {  	[sflag:s22] =	ssyncadd.s32 s3;
	_ =	sdelay $0x1  }
0xa1: {  	s23 =	simm.s32 $0x1B8B  }
0xa2: {  	_ =	swait.ge [sflag:s23], $0x1  }
0xa3: {  	[sflag:s23] =	ssyncset.done $0x0  }
0xa4: {  	s25 =	simm.s32 $0x1B8E;
	s24 =	sld [smem:$0x3FFE];
	[sflag:s23] =	ssyncadd.s32 $0xFFFFFFFF  }
0xa5: {  	s26 =	simm.s32 $execute0_lowered;
	[smem:$0x3FD2] =	sst s25  }
0xa6: {  	s4 =	sshll.u32 s26, $0x1;
	_ =	strace $0x80000052;
	[dreg:$0x1] =	wrdreg $0xFFFFFFFF  }
0xa7: {  	s28 =	simm.s32 $_size_execute0_lowered;
	s2 =	sadd.s32 s2, s4;
	[dreg:$0x0] =	wrdreg $0x0  }
0xa8: {  	s4 =	sshll.u32 s28, $0x1;
	[dreg:$0x2] =	wrdreg s2  }
0xa9: {  	[dreg:$0x3] =	wrdreg s4  }
0xaa: {  	[dreg:$0x4] =	wrdreg $0xC0  }
0xab: {  	_ =	task [dreg:s6], $0x5FFFF  }
0xac: {  	[dreg:$0x1] =	wrdreg $0xFFFFFFFF  }
0xad: {  	[dreg:$0x0] =	wrdreg $0x60  }
0xae: {  	[dreg:$0x2] =	wrdreg s24  }
0xaf: {  	[dreg:$0x3] =	wrdreg $0x9  }
0xb0: {  	_ =	task.clear_ibuf [dreg:s6], $0x4FFFF;
	_ =	strace $0x90000052  }
0xb1: {  	s29 =	simm.s32 $0x9;
	_ =	strace $0x80000054  }
0xb2: {  	_ =	swait.ge [sflag:s29], $0x1  }
0xb3: {  	[sflag:s29] =	ssyncadd.s32 $0xFFFFFFFF  }
0xb4: {  	_ =	strace $0x90000054  }
0xb5: {  	_ =	sfence  }
0xb6: {  	s30 =	sld [smem:$0x0];
	_ =	sdelay $0x2  }
0xb7: {  	s31 =	sshll.u32 s1, $0xD;
	s1 =	sshrl.u32 s1, $0x2  }
0xb8: {  	s3 =	sand.u32 $0x4000, s31;
	s1 =	sadd.s32 s1, s30  }
0xb9: {  	s0 =	sor.u32 s3, s0;
	s1 =	sshll.u32 s1, $0x11  }
0xba: {  	s0 =	sor.u32 s1, s0  }
0xbb: {  	s0 =	sadd.s32 $0x8F2B, s0  }
0xbc: {  	[sflag:s0] =	ssyncadd.remote.s32 $0x1  }
0xbd: {  	_ =	sfence.sel $0xFFFF  }
0xbe: {  	[dreg:$0x0] =	wrdreg $0xFFFFFFFF;
	(pc) =	sbr.abs _section_cstart, $3  }
0xbf: {  	[dreg:$0x1] =	wrdreg $0xFFFFFFFF  }
0xc0: {  	_ =	task.clear_ibuf [dreg:s6], $0x2FFFF;
	_ =	strace $0x9FFFFFFF  }
0xc1: {  	(tm) =	ssettm $0x7FFFFFFF  }
tec
execute0_lowered:
.L_overlay_start_1:
0x0: {  	(tag) =	ssettag $0x1  }
0x1: {  	s6 =	rddreg [dreg:$0x0]  }
0x2: {  	s0 =	rddreg [dreg:$0x1]  }
0x3: {  	s1 =	simm.s32 $0x0;
	s3 =	srdreg.scid;
	v0 =	vlaneseq.u32;
	s10 =	simm.s32 $0x80  }
0x4: {  	s11 =	simm.s32 $0x100;
	s12 =	simm.s32 $0x4100;
	s13 =	simm.s32 $0x8180;
	v0 =	vmul.u32 $0x80, v0  }
0x5: {  	s14 =	simm.s32 $0x8100;
	s15 =	simm.s32 $0x0;
	[smem:$0x7FF] =	sst s1  }
0x6: {  	s2 =	sadd.s32 $0x6000, s6;
	s7 =	sand.u32 $0x1, s3;
	s4 =	sadd.s32 $0xF1E00, s6;
	v1 =	vor.u32 $0x1, v0;
	v2 =	vor.u32 $0x2, v0;
	v3 =	vor.u32 $0x3, v0  }
0x7: {  	s5 =	sadd.s32 $0xF5000, s6;
	s3 =	stileid.u32;
	s8 =	ssub.s32 $0x2, s7;
	v4 =	vor.u32 $0x4, v0;
	v5 =	vor.u32 $0x5, v0;
	v6 =	vor.u32 $0x6, v0  }
0x8: {  	s6 =	sadd.s32 $0x54200, s6;
	s7 =	sshll.u32 s7, $0x4;
	s9 =	sshrl.u32 s8, $0x1;
	v7 =	vor.u32 $0x7, v0;
	v8 =	vor.u32 $0x8, v0;
	v9 =	vor.u32 $0x9, v0  }
0x9: {  	_ =	strace $0x80000053;
	s7 =	sor.u32 s3, s7;
	v10 =	vor.u32 $0xA, v0;
	v11 =	vor.u32 $0xB, v0;
	v12 =	vor.u32 $0xC, v0;
	s8 =	ssub.s32 s8, s9  }
0xa: {  	v13 =	vor.u32 $0xD, v0;
	v14 =	vor.u32 $0xE, v0;
	v15 =	vor.u32 $0xF, v0;
	s7 =	smul.u32 $0x19, s7;
	s9 =	simm.s32 $0x1;
	s8 =	smax.u32 s8, $0x1  }
.LBB2_1:
0xb: {  	s16 =	simm.s32 $0x0  }
.LBB2_2:
0xc: {  	s17 =	sadd.s32 s7, s16  }
0xd: {  	s17 =	sshll.u32 s17, $0x4  }
0xe: {  	s18 =	simm.s32 $0x0;
	s19 =	sadd.s32 s4, s17  }
0xf: {  	[tilespmem:s18], [sflag:$0x1] =	stream.linear.gather [hbm4b:s19+s18], $0x80, $0x38;
	[tilespmem:$0x8980] =	vst v63  }
0x10: {  	_ =	swait.ge [sflag:s9], $0x80  }
0x11: {  	[sflag:s9] =	ssyncset.done $0x0  }
0x12: {  	s31 =	sadd.s32 s5, s17;
	[sflag:s9] =	ssyncadd.s32 $0xFFFFFF80  }
0x13: {  	[tilespmem:s10], [sflag:$0x1] =	stream.linear.gather [hbm4b:s31+s18], $0x80, $0x38;
	[tilespmem:$0x8980] =	vst v63  }
0x14: {  	_ =	swait.ge [sflag:s9], $0x80  }
0x15: {  	[sflag:s9] =	ssyncset.done $0x0  }
0x16: {  	[sflag:s9] =	ssyncadd.s32 $0xFFFFFF80  }
0x17: {  	[tilespmem:s11], [sflag:$0x1] =	stream.indirect.gather [hbm4b:s2+s10], $0x80, s18, s10, $0xb8;
	[tilespmem:$0x8980] =	vst v63  }
0x18: {  	_ =	swait.ge [sflag:s9], $0x4000  }
0x19: {  	[sflag:s9] =	ssyncset.done $0x0  }
0x1a: {  	[sflag:s9] =	ssyncadd.s32 $0xFFFFC000  }
0x1b: {  	[tilespmem:s12], [sflag:$0x1] =	stream.indirect.gather [hbm4b:s2+s10], $0x80, s10, s10, $0xb8;
	[tilespmem:$0x8980] =	vst v63  }
0x1c: {  	_ =	swait.ge [sflag:s9], $0x4000  }
0x1d: {  	[sflag:s9] =	ssyncset.done $0x0  }
0x1e: {  	s20 =	simm.s32 $0x4170;
	s19 =	simm.s32 $0x140;
	[sflag:s9] =	ssyncadd.s32 $0xFFFFC000  }
.LBB2_3:
0x1f: {  	v16 =	vmov s20  }
0x20: {  	v17 =	vmov s19;
	_ =	sdelay $0x2  }
0x21: {  	s21 =	simm.s32 $0x0  }
0x22: {  	v18 =	vld.idx.msk [tilespmem:v16+s21+$0xFFFFFF90 ss:$0x1], $0xffff  }
0x23: {  	v19 =	vld.idx.msk [tilespmem:v17+s21+$0xFFFFFFC0 ss:$0x1], $0xffff  }
0x24: {  	s22 =	simm.s32 $0x200;
	v20 =	vld.idx.msk [tilespmem:v17+s21+$0xFFFFFFD0 ss:$0x1], $0xffff  }
.LBB2_4:
0x25: {  	p0 =	sne.s32 s22, $0x1E00;
	v21 =	vld.idx.msk [tilespmem:v16+s21+$0xFFFFFFA0 ss:$0x1], $0xffff  }
0x26: {  	v22 =	vld.idx.msk [tilespmem:v17+s21+$0xFFFFFFE0 ss:$0x1], $0xffff  }
0x27: {  	v23 =	vld.idx.msk [tilespmem:v16+s21+$0xFFFFFFB0 ss:$0x1], $0xffff  }
0x28: {  	v24 =	vld.idx.msk [tilespmem:v17+s21+$0xFFFFFFF0 ss:$0x1], $0xffff  }
0x29: {  	v25 =	vld.idx.msk [tilespmem:v16+s21+$0xFFFFFFC0 ss:$0x1], $0xffff  }
0x2a: {  	v26 =	vld.idx.msk [tilespmem:v17+s21+$0x0 ss:$0x1], $0xffff  }
0x2b: {  	v18 =	vmul.f32 v18, v19;
	v19 =	vmul.f32 v21, v20;
	v20 =	vld.idx.msk [tilespmem:v16+s21+$0xFFFFFFD0 ss:$0x1], $0xffff  }
0x2c: {  	v21 =	vld.idx.msk [tilespmem:v17+s21+$0x10 ss:$0x1], $0xffff  }
0x2d: {  	v18 =	vadd.f32 v19, v18;
	v19 =	vmul.f32 v23, v22;
	v22 =	vld.idx.msk [tilespmem:v16+s21+$0xFFFFFFE0 ss:$0x1], $0xffff  }
0x2e: {  	v23 =	vld.idx.msk [tilespmem:v17+s21+$0x20 ss:$0x1], $0xffff  }
0x2f: {  	v18 =	vadd.f32 v19, v18;
	v19 =	vmul.f32 v25, v24;
	v24 =	vld.idx.msk [tilespmem:v16+s21+$0xFFFFFFF0 ss:$0x1], $0xffff  }
0x30: {  	v25 =	vld.idx.msk [tilespmem:v17+s21+$0x30 ss:$0x1], $0xffff  }
0x31: {  	v18 =	vadd.f32 v19, v18;
	v19 =	vmul.f32 v20, v26;
	v20 =	vld.idx.msk [tilespmem:v16+s21+$0x0 ss:$0x1], $0xffff;
	_ =	sdelay $0x1  }
0x32: {  	v18 =	vadd.f32 v19, v18;
	v19 =	vmul.f32 v22, v21;
	_ =	sdelay $0x1  }
0x33: {  	v18 =	vadd.f32 v19, v18;
	v19 =	vmul.f32 v24, v23;
	_ =	sdelay $0x1  }
0x34: {  	v18 =	vadd.f32 v19, v18;
	v19 =	vmul.f32 v20, v25;
	_ =	sdelay $0x1  }
0x35: {  	v18 =	vadd.f32 v19, v18  }
.Ltmp0:
0x36: {  	(pc) =	sbr.rel @p0 .LBB2_4-.Ltmp0, $4  }
0x37: {  	[tilespmem:s21+$0x8180] =	vst v18;
	s21 =	sshra.s32 s22, $0x2  }
0x38: {  	v18 =	vld.idx.msk [tilespmem:v16+s21+$0xFFFFFF90 ss:$0x1], $0xffff  }
0x39: {  	v19 =	vld.idx.msk [tilespmem:v17+s21+$0xFFFFFFC0 ss:$0x1], $0xffff  }
0x3a: {  	s22 =	sadd.s32 $0x200, s22;
	v20 =	vld.idx.msk [tilespmem:v17+s21+$0xFFFFFFD0 ss:$0x1], $0xffff  }
0x3b: {  	_ =	sdelay $0x3  }
0x3c: {  	v21 =	vld.idx.msk [tilespmem:v16+s21+$0xFFFFFFA0 ss:$0x1], $0xffff  }
0x3d: {  	v22 =	vld.idx.msk [tilespmem:v17+s21+$0xFFFFFFE0 ss:$0x1], $0xffff  }
0x3e: {  	v23 =	vld.idx.msk [tilespmem:v16+s21+$0xFFFFFFB0 ss:$0x1], $0xffff  }
0x3f: {  	v24 =	vld.idx.msk [tilespmem:v17+s21+$0xFFFFFFF0 ss:$0x1], $0xffff  }
0x40: {  	v25 =	vld.idx.msk [tilespmem:v16+s21+$0xFFFFFFC0 ss:$0x1], $0xffff  }
0x41: {  	v26 =	vld.idx.msk [tilespmem:v17+s21+$0x0 ss:$0x1], $0xffff;
	v18 =	vmul.f32 v18, v19;
	v43 =	vmul.f32 v21, v20  }
0x42: {  	v44 =	vld.idx.msk [tilespmem:v16+s21+$0xFFFFFFD0 ss:$0x1], $0xffff  }
0x43: {  	v45 =	vld.idx.msk [tilespmem:v17+s21+$0x10 ss:$0x1], $0xffff;
	v46 =	vmul.f32 v23, v22;
	v18 =	vadd.f32 v43, v18  }
0x44: {  	v47 =	vld.idx.msk [tilespmem:v16+s21+$0xFFFFFFE0 ss:$0x1], $0xffff  }
0x45: {  	v48 =	vld.idx.msk [tilespmem:v17+s21+$0x20 ss:$0x1], $0xffff;
	v49 =	vmul.f32 v25, v24;
	v18 =	vadd.f32 v46, v18  }
0x46: {  	v50 =	vld.idx.msk [tilespmem:v16+s21+$0xFFFFFFF0 ss:$0x1], $0xffff  }
0x47: {  	v17 =	vld.idx.msk [tilespmem:v17+s21+$0x30 ss:$0x1], $0xffff;
	v51 =	vmul.f32 v44, v26;
	v18 =	vadd.f32 v49, v18  }
0x48: {  	v16 =	vld.idx.msk [tilespmem:v16+s21+$0x0 ss:$0x1], $0xffff  }
0x49: {  	v52 =	vmul.f32 v47, v45;
	v18 =	vadd.f32 v51, v18;
	_ =	sdelay $0x1  }
0x4a: {  	v53 =	vmul.f32 v50, v48;
	v18 =	vadd.f32 v52, v18;
	_ =	sdelay $0x1  }
0x4b: {  	v16 =	vmul.f32 v16, v17;
	v18 =	vadd.f32 v53, v18;
	_ =	sdelay $0x1  }
0x4c: {  	v16 =	vadd.f32 v16, v18;
	_ =	sdelay $0x1  }
0x4d: {  	[tilespmem:s21+$0x8180] =	vst v16  }
0x4e: {  	v16 =	vld.idx.msk [tilespmem:v0+s13+$0x0], $0xffff;
	_ =	sdelay $0x1  }
0x4f: {  	v17 =	vld.idx.msk [tilespmem:v1+s13+$0x0], $0xffff;
	_ =	sdelay $0x1  }
0x50: {  	v54 =	vld.idx.msk [tilespmem:v2+s13+$0x0], $0xffff  }
0x51: {  	v16 =	vadd.f32 $0.0e+00, v16  }
0x52: {  	v55 =	vld.idx.msk [tilespmem:v3+s13+$0x0], $0xffff  }
0x53: {  	v16 =	vadd.f32 v17, v16  }
0x54: {  	v17 =	vld.idx.msk [tilespmem:v4+s13+$0x0], $0xffff  }
0x55: {  	v16 =	vadd.f32 v54, v16  }
0x56: {  	v56 =	vld.idx.msk [tilespmem:v5+s13+$0x0], $0xffff  }
0x57: {  	v16 =	vadd.f32 v55, v16  }
0x58: {  	v57 =	vld.idx.msk [tilespmem:v6+s13+$0x0], $0xffff  }
0x59: {  	v16 =	vadd.f32 v17, v16  }
0x5a: {  	v17 =	vld.idx.msk [tilespmem:v7+s13+$0x0], $0xffff  }
0x5b: {  	v16 =	vadd.f32 v56, v16  }
0x5c: {  	v58 =	vld.idx.msk [tilespmem:v8+s13+$0x0], $0xffff  }
0x5d: {  	v16 =	vadd.f32 v57, v16  }
0x5e: {  	v59 =	vld.idx.msk [tilespmem:v9+s13+$0x0], $0xffff  }
0x5f: {  	v16 =	vadd.f32 v17, v16  }
0x60: {  	v17 =	vld.idx.msk [tilespmem:v10+s13+$0x0], $0xffff  }
0x61: {  	v16 =	vadd.f32 v58, v16  }
0x62: {  	v60 =	vld.idx.msk [tilespmem:v11+s13+$0x0], $0xffff  }
0x63: {  	v16 =	vadd.f32 v59, v16  }
0x64: {  	v61 =	vld.idx.msk [tilespmem:v12+s13+$0x0], $0xffff  }
0x65: {  	v16 =	vadd.f32 v17, v16  }
0x66: {  	v17 =	vld.idx.msk [tilespmem:v13+s13+$0x0], $0xffff  }
0x67: {  	v16 =	vadd.f32 v60, v16  }
0x68: {  	v62 =	vld.idx.msk [tilespmem:v14+s13+$0x0], $0xffff  }
0x69: {  	v16 =	vadd.f32 v61, v16  }
0x6a: {  	v63 =	vld.idx.msk [tilespmem:v15+s13+$0x0], $0xffff  }
0x6b: {  	s31 =	sshll.u32 s18, $0x4;
	s18 =	sadd.s32 $0x1, s18;
	v16 =	vadd.f32 v17, v16  }
0x6c: {  	p0 =	sne.s32 s18, $0x8  }
.Ltmp1:
0x6d: {  	v16 =	vadd.f32 v62, v16;
	(pc) =	sbr.rel @p0 .LBB2_3-.Ltmp1, $4  }
0x6e: {  	_ = 	snop  }
0x6f: {  	v16 =	vadd.f32 v63, v16  }
0x70: {  	s21 =	sand.u32 $0x3FFFFFF0, s31  }
0x71: {  	s19 =	sadd.s32 $0x800, s19;
	s20 =	sadd.s32 $0x800, s20;
	[tilespmem:s21+$0x8100] =	vst v16  }
0x72: {  	s16 =	sadd.s32 $0x1, s16  }
0x73: {  	p0 =	sne.s32 s16, $0x19  }
.Ltmp2:
0x74: {  	s17 =	sadd.s32 s6, s17;
	(pc) =	sbr.rel @p0 .LBB2_2-.Ltmp2, $4  }
0x75: {  	[hbm4b:s17+s1] =	stream.linear.scatter [tilespmem:s14], [sflag:$0x1], $0x80, $0x38;
	[tilespmem:$0x8980] =	vst v63  }
0x76: {  	_ =	swait.ge [sflag:s9], $0x80  }
0x77: {  	[sflag:s9] =	ssyncset.done $0x0  }
0x78: {  	[sflag:s9] =	ssyncadd.s32 $0xFFFFFF80  }
0x79: {  	s15 =	sadd.s32 $0x1, s15  }
0x7a: {  	p0 =	sne.s32 s15, s8  }
.Ltmp3:
0x7b: {  	_ = 	snop;
	(pc) =	sbr.rel @p0 .LBB2_1-.Ltmp3, $1  }
0x7c: {  	_ =	sdelay $0x3  }
0x7d: {  	_ =	sfence.sel $0x180000  }
0x7e: {  	[bflag:$0x0] =	sbarrier.arrive $0xFFFF  }
0x7f: {  	p0 =	sne.s32 s3, $0x0;
	_ =	strace $0x90000053  }
0x80: {  	s0 =	sadd.s32 @!p0 $0x100000, s0;
	[bflag:$0x2] =	sbarrier.arrive $0xFFFF  }
0x81: {  	[sflag:s0] =	ssyncadd.tile.s32 @!p0 $0x1;
	_ =	shalt  }
.Lfunc_end2:
_tile_overlayer_lowered:
.L_overlay_start_2:
0x82: {  	(tag) =	ssettag $0x2  }
0x83: {  	s0 =	rddreg [dreg:$0x0];
	s2 =	stileid.u32  }
0x84: {  	s1 =	rddreg [dreg:$0x1];
	p0 =	sne.s32 s2, $0x0  }
0x85: {  	s3 =	rddreg [dreg:$0x2];
	[bflag:$0x3] =	sbarrier.arrive $0xFFFF;
	s2 =	simm.s32 @!p0 $0x1C01  }
0x86: {  	[timem:s3], [sflag:s2] =	dma.local @!p0 [hbm:s0], s1  }
0x87: {  	s0 =	simm.s32 @!p0 $0x1  }
0x88: {  	_ =	swait.ge @!p0 [sflag:s0], s1  }
0x89: {  	s1 =	ssub.s32 @!p0 $0x0, s1;
	[sflag:s0] =	ssyncset.done @!p0 $0x0  }
0x8a: {  	[sflag:s0] =	ssyncadd.s32 @!p0 s1  }
0x8b: {  	[bflag:$0x3] =	sbarrier.arrive $0xFFFF  }
0x8c: {  	_ =	shalt  }

</sc_bundles>
